<compile_context>
chip_gen: v7x
topology: tpu7x:2x2x1
jax: 0.10.2.dev20260603
libtpu: 0.0.44.dev20260713+nightly
codegen_flags: <defaults>
</compile_context>

<pallas_src>
import functools

import jax
import jax.numpy as jnp
from jax import lax
from jax.experimental import pallas as pl
from jax.experimental.pallas import tpu as pltpu
from jax.experimental.pallas import tpu_sc as plsc

D = 128
L = 16
NC, NS = 2, 16
NW = NC * NS
CH = 80
NB = 5


@functools.partial(jax.jit, static_argnames=("E",))
def _dot_scores(table, src, dst, E):
    EPW = E // NW
    NCH = EPW // CH

    mesh = plsc.VectorSubcoreMesh(
        core_axis_name="c", subcore_axis_name="s", num_cores=NC, num_subcores=NS)

    row_bufs = [pltpu.VMEM((CH, D // 2), jnp.int32) for _ in range(2 * NB)]
    sems = [pltpu.SemaphoreType.DMA for _ in range(NB)]

    @functools.partial(
        pl.kernel,
        out_type=jax.ShapeDtypeStruct((E,), jnp.float32),
        mesh=mesh,
        compiler_params=pltpu.CompilerParams(
            needs_layout_passes=False, use_tc_tiling_on_sc=False),
        scratch_types=[
            pltpu.VMEM((EPW,), jnp.int32),
            pltpu.VMEM((EPW,), jnp.int32),
            pltpu.VMEM((EPW + L,), jnp.float32),
        ] + row_bufs + sems,
    )
    def k(table_hbm, src_hbm, dst_hbm, out_hbm, sidx, didx, outv, *bufs_and_sems):
        bufs = [(bufs_and_sems[2 * b], bufs_and_sems[2 * b + 1])
                for b in range(NB)]
        sem = bufs_and_sems[2 * NB:]
        wid = lax.axis_index("s") * NC + lax.axis_index("c")
        base = wid * EPW

        pltpu.sync_copy(src_hbm.at[pl.ds(base, EPW)], sidx)
        pltpu.sync_copy(dst_hbm.at[pl.ds(base, EPW)], didx)

        def fire(c, b):
            sb, db = bufs[b]
            pltpu.async_copy(table_hbm.at[sidx.at[pl.ds(c * CH, CH)]], sb,
                             sem[b])
            pltpu.async_copy(table_hbm.at[didx.at[pl.ds(c * CH, CH)]], db,
                             sem[b])

        def drain(c, b):
            sb, db = bufs[b]
            pltpu.make_async_copy(
                table_hbm.at[sidx.at[pl.ds(c * CH, CH)]], sb, sem[b]).wait()
            pltpu.make_async_copy(
                table_hbm.at[didx.at[pl.ds(c * CH, CH)]], db, sem[b]).wait()

        for b in range(NB):
            fire(b, b)

        def chunk_body(c, carry):
            for b in range(NB):
                @pl.when(lax.rem(c, NB) == b)
                def _(b=b):
                    drain(c, b)
                    sb, db = bufs[b]

                    last_lane = lax.iota(jnp.int32, L) == (L - 1)

                    @plsc.parallel_loop(0, CH, step=1, unroll=4)
                    def edge_body(e):
                        accs = [jnp.zeros((2 * L,), jnp.bfloat16)
                                for _ in range(2)]
                        for j in range(D // (2 * L)):
                            s = plsc.bitcast(sb[e, pl.ds(j * L, L)],
                                             jnp.bfloat16)
                            t = plsc.bitcast(db[e, pl.ds(j * L, L)],
                                             jnp.bfloat16)
                            accs[j % 2] = accs[j % 2] + s * t
                        a0, a1 = plsc.unpack(
                            accs[0] + accs[1],
                            format=plsc.PackFormat.INTERLEAVED)
                        red = plsc.cumsum(a0 + a1)
                        plsc.store_compressed(
                            outv.at[pl.ds(c * CH + e, L)], red, mask=last_lane)

                    @pl.when(c + NB < NCH)
                    def _():
                        fire(c + NB, b)
            return carry

        lax.fori_loop(0, NCH, chunk_body, 0, unroll=False)
        pltpu.sync_copy(outv.at[pl.ds(0, EPW)], out_hbm.at[pl.ds(base, EPW)])

    return k(table, src, dst)


def kernel(node_embeddings, edge_index):
    idx = edge_index.astype(jnp.int32)
    E = idx.shape[1]
    table_bf = node_embeddings.astype(jnp.bfloat16)
    N, Dm = table_bf.shape
    table = lax.bitcast_convert_type(
        table_bf.reshape(N, Dm // 2, 2), jnp.int32)
    scores = _dot_scores(table, idx[0], idx[1], E)
    return scores.reshape(E, 1)

# --- scband reference (transcript-rebuilt; emitter-appended) ---
"""Pipeline reference for scband-dot-predictor-13615046328528 (READ-ONLY COPY).

The authoritative reference and input builder live on the scoring server;
editing this copy changes nothing except your own understanding.
"""

import jax, jax.numpy as jnp
import numpy as np


def setup_inputs(seed: int = 0) -> dict:
    key = jax.random.key(seed)
    k1, k2 = jax.random.split(key)
    node_embeddings = jax.random.normal(k1, (10000, 128), dtype=jnp.float32)
    edge_index = jax.random.randint(k2, (2, 320000), 0, 10000, dtype=jnp.int64)
    return {"node_embeddings": node_embeddings, "edge_index": edge_index}


def reference(node_embeddings, edge_index):
    # DGL u_dot_v: for each edge (u, v), score = dot(emb[u], emb[v]), output shape [E, 1]
    src = edge_index[0]
    dst = edge_index[1]
    src_emb = jnp.take(node_embeddings, src, axis=0)  # gather [E, d]
    dst_emb = jnp.take(node_embeddings, dst, axis=0)  # gather [E, d]
    score = jnp.sum(src_emb * dst_emb, axis=-1, keepdims=True)  # [E, 1]
    return score

if __name__ == "__main__":
    import jax
    _d = setup_inputs()
    print(jax.jit(kernel)(*tuple(_d.values())))

</pallas_src>

<mosaic_0001>
#map = affine_map<(d0, d1) -> (0, 0)>
#map1 = affine_map<(d0, d1) -> (0)>
module attributes {stable_mosaic.version = 14 : i64} {
  func.func @k(%arg0: i32, %arg1: i32, %arg2: memref<10000x64xi32, #tpu.memory_space<hbm>>, %arg3: memref<320000xi32, #tpu.memory_space<hbm>>, %arg4: memref<320000xi32, #tpu.memory_space<hbm>>, %arg5: memref<320000xf32, #tpu.memory_space<hbm>>, %arg6: memref<10000xi32, #tpu.memory_space<vmem>>, %arg7: memref<10000xi32, #tpu.memory_space<vmem>>, %arg8: memref<10016xf32, #tpu.memory_space<vmem>>, %arg9: memref<80x64xi32, #tpu.memory_space<vmem>>, %arg10: memref<80x64xi32, #tpu.memory_space<vmem>>, %arg11: memref<80x64xi32, #tpu.memory_space<vmem>>, %arg12: memref<80x64xi32, #tpu.memory_space<vmem>>, %arg13: memref<80x64xi32, #tpu.memory_space<vmem>>, %arg14: memref<80x64xi32, #tpu.memory_space<vmem>>, %arg15: memref<80x64xi32, #tpu.memory_space<vmem>>, %arg16: memref<80x64xi32, #tpu.memory_space<vmem>>, %arg17: memref<80x64xi32, #tpu.memory_space<vmem>>, %arg18: memref<80x64xi32, #tpu.memory_space<vmem>>, %arg19: memref<!tpu.dma_semaphore, #tpu.memory_space<semaphore_mem>>, %arg20: memref<!tpu.dma_semaphore, #tpu.memory_space<semaphore_mem>>, %arg21: memref<!tpu.dma_semaphore, #tpu.memory_space<semaphore_mem>>, %arg22: memref<!tpu.dma_semaphore, #tpu.memory_space<semaphore_mem>>, %arg23: memref<!tpu.dma_semaphore, #tpu.memory_space<semaphore_mem>>) attributes {dimension_semantics = [#tpu.dimension_semantics<core_parallel>, #tpu.dimension_semantics<subcore_parallel>], iteration_bounds = array<i64: 2, 16>, scalar_prefetch = 0 : i64, scratch_operands = 18 : i64, tpu.core_type = #tpu.core_type<sc_vector_subcore>, window_params = [{transform_indices = #map}, {transform_indices = #map1}, {transform_indices = #map1}, {transform_indices = #map1}]} {
    %mul3A = arith.constant 2 : i32
    %mul3A_0 = arith.muli %arg1, %mul3A : i32
    %add3A = arith.addi %mul3A_0, %arg0 : i32
    %mul3A_1 = arith.constant 10000 : i32
    %mul3A_2 = arith.muli %add3A, %mul3A_1 : i32
    "tpu.region"() ({
      %run_scoped3A = tpu.sem_alloc : memref<!tpu.dma_semaphore, #tpu.memory_space<semaphore_mem>>
      %dma_start3A_57 = tpu.memref_slice %arg3[%mul3A_2] : memref<320000xi32, #tpu.memory_space<hbm>> -> memref<10000xi32, #tpu.memory_space<hbm>>
      %dma_start3A_58 = tpu.memref_slice %arg3[%mul3A_2] : memref<320000xi32, #tpu.memory_space<hbm>> -> memref<10000xi32, #tpu.memory_space<hbm>>
      tpu.enqueue_dma source(%dma_start3A_58 : memref<10000xi32, #tpu.memory_space<hbm>>) target(%arg6 : memref<10000xi32, #tpu.memory_space<vmem>>) target_semaphore(%run_scoped3A : memref<!tpu.dma_semaphore, #tpu.memory_space<semaphore_mem>>)
      %dma_wait3A = tpu.memref_slice %arg3[%mul3A_2] : memref<320000xi32, #tpu.memory_space<hbm>> -> memref<10000xi32, #tpu.memory_space<hbm>>
      %dma_wait3A_59 = tpu.memref_slice %arg3[%mul3A_2] : memref<320000xi32, #tpu.memory_space<hbm>> -> memref<10000xi32, #tpu.memory_space<hbm>>
      tpu.wait_dma2 semaphore(%run_scoped3A : memref<!tpu.dma_semaphore, #tpu.memory_space<semaphore_mem>>) src(%dma_wait3A_59 : memref<10000xi32, #tpu.memory_space<hbm>>) dst(%arg6 : memref<10000xi32, #tpu.memory_space<vmem>>)
      tpu.yield
    }) : () -> ()
    "tpu.region"() ({
      %run_scoped3A = tpu.sem_alloc : memref<!tpu.dma_semaphore, #tpu.memory_space<semaphore_mem>>
      %dma_start3A_57 = tpu.memref_slice %arg4[%mul3A_2] : memref<320000xi32, #tpu.memory_space<hbm>> -> memref<10000xi32, #tpu.memory_space<hbm>>
      %dma_start3A_58 = tpu.memref_slice %arg4[%mul3A_2] : memref<320000xi32, #tpu.memory_space<hbm>> -> memref<10000xi32, #tpu.memory_space<hbm>>
      tpu.enqueue_dma source(%dma_start3A_58 : memref<10000xi32, #tpu.memory_space<hbm>>) target(%arg7 : memref<10000xi32, #tpu.memory_space<vmem>>) target_semaphore(%run_scoped3A : memref<!tpu.dma_semaphore, #tpu.memory_space<semaphore_mem>>)
      %dma_wait3A = tpu.memref_slice %arg4[%mul3A_2] : memref<320000xi32, #tpu.memory_space<hbm>> -> memref<10000xi32, #tpu.memory_space<hbm>>
      %dma_wait3A_59 = tpu.memref_slice %arg4[%mul3A_2] : memref<320000xi32, #tpu.memory_space<hbm>> -> memref<10000xi32, #tpu.memory_space<hbm>>
      tpu.wait_dma2 semaphore(%run_scoped3A : memref<!tpu.dma_semaphore, #tpu.memory_space<semaphore_mem>>) src(%dma_wait3A_59 : memref<10000xi32, #tpu.memory_space<hbm>>) dst(%arg7 : memref<10000xi32, #tpu.memory_space<vmem>>)
      tpu.yield
    }) : () -> ()
    %dma_start3A = arith.constant 0 : i32
    %dma_start3A_3 = tpu.memref_slice %arg6[%dma_start3A] : memref<10000xi32, #tpu.memory_space<vmem>> -> memref<80xi32, #tpu.memory_space<vmem>>
    %dma_start3A_4 = arith.constant 0 : i32
    %dma_start3A_5 = arith.constant 0 : i32
    %dma_start3A_6 = tpu.memref_slice %arg2[%dma_start3A_4, %dma_start3A_5] : memref<10000x64xi32, #tpu.memory_space<hbm>> -> memref<10000x64xi32, #tpu.memory_space<hbm>>
    tpu.enqueue_indirect_dma source(%dma_start3A_6 : memref<10000x64xi32, #tpu.memory_space<hbm>>) target(%arg9 : memref<80x64xi32, #tpu.memory_space<vmem>>) offsets(%dma_start3A_3 : memref<80xi32, #tpu.memory_space<vmem>>) semaphore(%arg19 : memref<!tpu.dma_semaphore, #tpu.memory_space<semaphore_mem>>)
    %dma_start3A_7 = arith.constant 0 : i32
    %dma_start3A_8 = tpu.memref_slice %arg7[%dma_start3A_7] : memref<10000xi32, #tpu.memory_space<vmem>> -> memref<80xi32, #tpu.memory_space<vmem>>
    %dma_start3A_9 = arith.constant 0 : i32
    %dma_start3A_10 = arith.constant 0 : i32
    %dma_start3A_11 = tpu.memref_slice %arg2[%dma_start3A_9, %dma_start3A_10] : memref<10000x64xi32, #tpu.memory_space<hbm>> -> memref<10000x64xi32, #tpu.memory_space<hbm>>
    tpu.enqueue_indirect_dma source(%dma_start3A_11 : memref<10000x64xi32, #tpu.memory_space<hbm>>) target(%arg10 : memref<80x64xi32, #tpu.memory_space<vmem>>) offsets(%dma_start3A_8 : memref<80xi32, #tpu.memory_space<vmem>>) semaphore(%arg19 : memref<!tpu.dma_semaphore, #tpu.memory_space<semaphore_mem>>)
    %dma_start3A_12 = arith.constant 80 : i32
    %dma_start3A_13 = tpu.memref_slice %arg6[%dma_start3A_12] : memref<10000xi32, #tpu.memory_space<vmem>> -> memref<80xi32, #tpu.memory_space<vmem>>
    %dma_start3A_14 = arith.constant 0 : i32
    %dma_start3A_15 = arith.constant 0 : i32
    %dma_start3A_16 = tpu.memref_slice %arg2[%dma_start3A_14, %dma_start3A_15] : memref<10000x64xi32, #tpu.memory_space<hbm>> -> memref<10000x64xi32, #tpu.memory_space<hbm>>
    tpu.enqueue_indirect_dma source(%dma_start3A_16 : memref<10000x64xi32, #tpu.memory_space<hbm>>) target(%arg11 : memref<80x64xi32, #tpu.memory_space<vmem>>) offsets(%dma_start3A_13 : memref<80xi32, #tpu.memory_space<vmem>>) semaphore(%arg20 : memref<!tpu.dma_semaphore, #tpu.memory_space<semaphore_mem>>)
    %dma_start3A_17 = arith.constant 80 : i32
    %dma_start3A_18 = tpu.memref_slice %arg7[%dma_start3A_17] : memref<10000xi32, #tpu.memory_space<vmem>> -> memref<80xi32, #tpu.memory_space<vmem>>
    %dma_start3A_19 = arith.constant 0 : i32
    %dma_start3A_20 = arith.constant 0 : i32
    %dma_start3A_21 = tpu.memref_slice %arg2[%dma_start3A_19, %dma_start3A_20] : memref<10000x64xi32, #tpu.memory_space<hbm>> -> memref<10000x64xi32, #tpu.memory_space<hbm>>
    tpu.enqueue_indirect_dma source(%dma_start3A_21 : memref<10000x64xi32, #tpu.memory_space<hbm>>) target(%arg12 : memref<80x64xi32, #tpu.memory_space<vmem>>) offsets(%dma_start3A_18 : memref<80xi32, #tpu.memory_space<vmem>>) semaphore(%arg20 : memref<!tpu.dma_semaphore, #tpu.memory_space<semaphore_mem>>)
    %dma_start3A_22 = arith.constant 160 : i32
    %dma_start3A_23 = tpu.memref_slice %arg6[%dma_start3A_22] : memref<10000xi32, #tpu.memory_space<vmem>> -> memref<80xi32, #tpu.memory_space<vmem>>
    %dma_start3A_24 = arith.constant 0 : i32
    %dma_start3A_25 = arith.constant 0 : i32
    %dma_start3A_26 = tpu.memref_slice %arg2[%dma_start3A_24, %dma_start3A_25] : memref<10000x64xi32, #tpu.memory_space<hbm>> -> memref<10000x64xi32, #tpu.memory_space<hbm>>
    tpu.enqueue_indirect_dma source(%dma_start3A_26 : memref<10000x64xi32, #tpu.memory_space<hbm>>) target(%arg13 : memref<80x64xi32, #tpu.memory_space<vmem>>) offsets(%dma_start3A_23 : memref<80xi32, #tpu.memory_space<vmem>>) semaphore(%arg21 : memref<!tpu.dma_semaphore, #tpu.memory_space<semaphore_mem>>)
    %dma_start3A_27 = arith.constant 160 : i32
    %dma_start3A_28 = tpu.memref_slice %arg7[%dma_start3A_27] : memref<10000xi32, #tpu.memory_space<vmem>> -> memref<80xi32, #tpu.memory_space<vmem>>
    %dma_start3A_29 = arith.constant 0 : i32
    %dma_start3A_30 = arith.constant 0 : i32
    %dma_start3A_31 = tpu.memref_slice %arg2[%dma_start3A_29, %dma_start3A_30] : memref<10000x64xi32, #tpu.memory_space<hbm>> -> memref<10000x64xi32, #tpu.memory_space<hbm>>
    tpu.enqueue_indirect_dma source(%dma_start3A_31 : memref<10000x64xi32, #tpu.memory_space<hbm>>) target(%arg14 : memref<80x64xi32, #tpu.memory_space<vmem>>) offsets(%dma_start3A_28 : memref<80xi32, #tpu.memory_space<vmem>>) semaphore(%arg21 : memref<!tpu.dma_semaphore, #tpu.memory_space<semaphore_mem>>)
    %dma_start3A_32 = arith.constant 240 : i32
    %dma_start3A_33 = tpu.memref_slice %arg6[%dma_start3A_32] : memref<10000xi32, #tpu.memory_space<vmem>> -> memref<80xi32, #tpu.memory_space<vmem>>
    %dma_start3A_34 = arith.constant 0 : i32
    %dma_start3A_35 = arith.constant 0 : i32
    %dma_start3A_36 = tpu.memref_slice %arg2[%dma_start3A_34, %dma_start3A_35] : memref<10000x64xi32, #tpu.memory_space<hbm>> -> memref<10000x64xi32, #tpu.memory_space<hbm>>
    tpu.enqueue_indirect_dma source(%dma_start3A_36 : memref<10000x64xi32, #tpu.memory_space<hbm>>) target(%arg15 : memref<80x64xi32, #tpu.memory_space<vmem>>) offsets(%dma_start3A_33 : memref<80xi32, #tpu.memory_space<vmem>>) semaphore(%arg22 : memref<!tpu.dma_semaphore, #tpu.memory_space<semaphore_mem>>)
    %dma_start3A_37 = arith.constant 240 : i32
    %dma_start3A_38 = tpu.memref_slice %arg7[%dma_start3A_37] : memref<10000xi32, #tpu.memory_space<vmem>> -> memref<80xi32, #tpu.memory_space<vmem>>
    %dma_start3A_39 = arith.constant 0 : i32
    %dma_start3A_40 = arith.constant 0 : i32
    %dma_start3A_41 = tpu.memref_slice %arg2[%dma_start3A_39, %dma_start3A_40] : memref<10000x64xi32, #tpu.memory_space<hbm>> -> memref<10000x64xi32, #tpu.memory_space<hbm>>
    tpu.enqueue_indirect_dma source(%dma_start3A_41 : memref<10000x64xi32, #tpu.memory_space<hbm>>) target(%arg16 : memref<80x64xi32, #tpu.memory_space<vmem>>) offsets(%dma_start3A_38 : memref<80xi32, #tpu.memory_space<vmem>>) semaphore(%arg22 : memref<!tpu.dma_semaphore, #tpu.memory_space<semaphore_mem>>)
    %dma_start3A_42 = arith.constant 320 : i32
    %dma_start3A_43 = tpu.memref_slice %arg6[%dma_start3A_42] : memref<10000xi32, #tpu.memory_space<vmem>> -> memref<80xi32, #tpu.memory_space<vmem>>
    %dma_start3A_44 = arith.constant 0 : i32
    %dma_start3A_45 = arith.constant 0 : i32
    %dma_start3A_46 = tpu.memref_slice %arg2[%dma_start3A_44, %dma_start3A_45] : memref<10000x64xi32, #tpu.memory_space<hbm>> -> memref<10000x64xi32, #tpu.memory_space<hbm>>
    tpu.enqueue_indirect_dma source(%dma_start3A_46 : memref<10000x64xi32, #tpu.memory_space<hbm>>) target(%arg17 : memref<80x64xi32, #tpu.memory_space<vmem>>) offsets(%dma_start3A_43 : memref<80xi32, #tpu.memory_space<vmem>>) semaphore(%arg23 : memref<!tpu.dma_semaphore, #tpu.memory_space<semaphore_mem>>)
    %dma_start3A_47 = arith.constant 320 : i32
    %dma_start3A_48 = tpu.memref_slice %arg7[%dma_start3A_47] : memref<10000xi32, #tpu.memory_space<vmem>> -> memref<80xi32, #tpu.memory_space<vmem>>
    %dma_start3A_49 = arith.constant 0 : i32
    %dma_start3A_50 = arith.constant 0 : i32
    %dma_start3A_51 = tpu.memref_slice %arg2[%dma_start3A_49, %dma_start3A_50] : memref<10000x64xi32, #tpu.memory_space<hbm>> -> memref<10000x64xi32, #tpu.memory_space<hbm>>
    tpu.enqueue_indirect_dma source(%dma_start3A_51 : memref<10000x64xi32, #tpu.memory_space<hbm>>) target(%arg18 : memref<80x64xi32, #tpu.memory_space<vmem>>) offsets(%dma_start3A_48 : memref<80xi32, #tpu.memory_space<vmem>>) semaphore(%arg23 : memref<!tpu.dma_semaphore, #tpu.memory_space<semaphore_mem>>)
    %scan3A = arith.constant 0 : i32
    %scan3A_52 = arith.constant 0 : i32
    %scan3A_53 = arith.constant 125 : i32
    %scan3A_54 = arith.addi %scan3A_52, %scan3A_53 : i32
    %scan3A_55 = arith.constant 1 : i32
    scf.for %scan3A_57 = %scan3A_52 to %scan3A_54 step %scan3A_55  : i32 {
      %rem3A = arith.constant 5 : i32
      %rem3A_58 = arith.remsi %scan3A_57, %rem3A : i32
      %eq3A = arith.constant 0 : i32
      %eq3A_59 = arith.cmpi eq, %rem3A_58, %eq3A : i32
      %convert_element_type3A = arith.extui %eq3A_59 : i1 to i32
      %cond3A = arith.constant 0 : i32
      %cond3A_60 = arith.cmpi ne, %convert_element_type3A, %cond3A : i32
      scf.if %cond3A_60 {
        %mul3A_89 = arith.constant 80 : i32
        %mul3A_90 = arith.muli %scan3A_57, %mul3A_89 : i32
        %dma_wait3A = tpu.memref_slice %arg6[%mul3A_90] : memref<10000xi32, #tpu.memory_space<vmem>> -> memref<80xi32, #tpu.memory_space<vmem>>
        %dma_wait3A_91 = arith.constant 0 : i32
        %dma_wait3A_92 = arith.constant 0 : i32
        %dma_wait3A_93 = tpu.memref_slice %arg2[%dma_wait3A_91, %dma_wait3A_92] : memref<10000x64xi32, #tpu.memory_space<hbm>> -> memref<10000x64xi32, #tpu.memory_space<hbm>>
        tpu.wait_indirect_dma semaphore(%arg19 : memref<!tpu.dma_semaphore, #tpu.memory_space<semaphore_mem>>) src(%dma_wait3A_93 : memref<10000x64xi32, #tpu.memory_space<hbm>>) dst(%arg9 : memref<80x64xi32, #tpu.memory_space<vmem>>)
        %mul3A_94 = arith.constant 80 : i32
        %mul3A_95 = arith.muli %scan3A_57, %mul3A_94 : i32
        %dma_wait3A_96 = tpu.memref_slice %arg7[%mul3A_95] : memref<10000xi32, #tpu.memory_space<vmem>> -> memref<80xi32, #tpu.memory_space<vmem>>
        %dma_wait3A_97 = arith.constant 0 : i32
        %dma_wait3A_98 = arith.constant 0 : i32
        %dma_wait3A_99 = tpu.memref_slice %arg2[%dma_wait3A_97, %dma_wait3A_98] : memref<10000x64xi32, #tpu.memory_space<hbm>> -> memref<10000x64xi32, #tpu.memory_space<hbm>>
        tpu.wait_indirect_dma semaphore(%arg19 : memref<!tpu.dma_semaphore, #tpu.memory_space<semaphore_mem>>) src(%dma_wait3A_99 : memref<10000x64xi32, #tpu.memory_space<hbm>>) dst(%arg10 : memref<80x64xi32, #tpu.memory_space<vmem>>)
        %iota3A = tpu.iota {dimensions = array<i32: 0>} : vector<16xi32>
        %eq3A_100 = arith.constant 15 : i32
        %eq3A_101 = vector.broadcast %eq3A_100 : i32 to vector<16xi32>
        %eq3A_102 = arith.cmpi eq, %iota3A, %eq3A_101 : vector<16xi32>
        %parallel_loop3A = arith.constant 0 : i32
        %parallel_loop3A_103 = arith.constant 80 : i32
        %parallel_loop3A_104 = arith.constant 1 : i32
        scf.for %parallel_loop3A_111 = %parallel_loop3A to %parallel_loop3A_103 step %parallel_loop3A_104  : i32 {
          %parallel_loop3A_112 = arith.constant 0.000000e+00 : bf16
          %parallel_loop3A_113 = vector.broadcast %parallel_loop3A_112 : bf16 to vector<32xbf16>
          %parallel_loop3A_114 = arith.constant 0.000000e+00 : bf16
          %parallel_loop3A_115 = vector.broadcast %parallel_loop3A_114 : bf16 to vector<32xbf16>
          %parallel_loop3A_116 = arith.index_cast %parallel_loop3A_111 : i32 to index
          %parallel_loop3A_117 = arith.constant 0 : index
          %parallel_loop3A_118 = tpu.vector_load %arg9[%parallel_loop3A_116, %parallel_loop3A_117] {strides = array<i32>} : memref<80x64xi32, #tpu.memory_space<vmem>>, vector<16xi32>,
          %parallel_loop3A_119 = vector.bitcast %parallel_loop3A_118 : vector<16xi32> to vector<32xbf16>
          %parallel_loop3A_120 = arith.index_cast %parallel_loop3A_111 : i32 to index
          %parallel_loop3A_121 = arith.constant 0 : index
          %parallel_loop3A_122 = tpu.vector_load %arg10[%parallel_loop3A_120, %parallel_loop3A_121] {strides = array<i32>} : memref<80x64xi32, #tpu.memory_space<vmem>>, vector<16xi32>,
          %parallel_loop3A_123 = vector.bitcast %parallel_loop3A_122 : vector<16xi32> to vector<32xbf16>
          %parallel_loop3A_124 = arith.mulf %parallel_loop3A_119, %parallel_loop3A_123 : vector<32xbf16>
          %parallel_loop3A_125 = arith.addf %parallel_loop3A_113, %parallel_loop3A_124 : vector<32xbf16>
          %parallel_loop3A_126 = arith.index_cast %parallel_loop3A_111 : i32 to index
          %parallel_loop3A_127 = arith.constant 16 : index
          %parallel_loop3A_128 = tpu.vector_load %arg9[%parallel_loop3A_126, %parallel_loop3A_127] {strides = array<i32>} : memref<80x64xi32, #tpu.memory_space<vmem>>, vector<16xi32>,
          %parallel_loop3A_129 = vector.bitcast %parallel_loop3A_128 : vector<16xi32> to vector<32xbf16>
          %parallel_loop3A_130 = arith.index_cast %parallel_loop3A_111 : i32 to index
          %parallel_loop3A_131 = arith.constant 16 : index
          %parallel_loop3A_132 = tpu.vector_load %arg10[%parallel_loop3A_130, %parallel_loop3A_131] {strides = array<i32>} : memref<80x64xi32, #tpu.memory_space<vmem>>, vector<16xi32>,
          %parallel_loop3A_133 = vector.bitcast %parallel_loop3A_132 : vector<16xi32> to vector<32xbf16>
          %parallel_loop3A_134 = arith.mulf %parallel_loop3A_129, %parallel_loop3A_133 : vector<32xbf16>
          %parallel_loop3A_135 = arith.addf %parallel_loop3A_115, %parallel_loop3A_134 : vector<32xbf16>
          %parallel_loop3A_136 = arith.index_cast %parallel_loop3A_111 : i32 to index
          %parallel_loop3A_137 = arith.constant 32 : index
          %parallel_loop3A_138 = tpu.vector_load %arg9[%parallel_loop3A_136, %parallel_loop3A_137] {strides = array<i32>} : memref<80x64xi32, #tpu.memory_space<vmem>>, vector<16xi32>,
          %parallel_loop3A_139 = vector.bitcast %parallel_loop3A_138 : vector<16xi32> to vector<32xbf16>
          %parallel_loop3A_140 = arith.index_cast %parallel_loop3A_111 : i32 to index
          %parallel_loop3A_141 = arith.constant 32 : index
          %parallel_loop3A_142 = tpu.vector_load %arg10[%parallel_loop3A_140, %parallel_loop3A_141] {strides = array<i32>} : memref<80x64xi32, #tpu.memory_space<vmem>>, vector<16xi32>,
          %parallel_loop3A_143 = vector.bitcast %parallel_loop3A_142 : vector<16xi32> to vector<32xbf16>
          %parallel_loop3A_144 = arith.mulf %parallel_loop3A_139, %parallel_loop3A_143 : vector<32xbf16>
          %parallel_loop3A_145 = arith.addf %parallel_loop3A_125, %parallel_loop3A_144 : vector<32xbf16>
          %parallel_loop3A_146 = arith.index_cast %parallel_loop3A_111 : i32 to index
          %parallel_loop3A_147 = arith.constant 48 : index
          %parallel_loop3A_148 = tpu.vector_load %arg9[%parallel_loop3A_146, %parallel_loop3A_147] {strides = array<i32>} : memref<80x64xi32, #tpu.memory_space<vmem>>, vector<16xi32>,
          %parallel_loop3A_149 = vector.bitcast %parallel_loop3A_148 : vector<16xi32> to vector<32xbf16>
          %parallel_loop3A_150 = arith.index_cast %parallel_loop3A_111 : i32 to index
          %parallel_loop3A_151 = arith.constant 48 : index
          %parallel_loop3A_152 = tpu.vector_load %arg10[%parallel_loop3A_150, %parallel_loop3A_151] {strides = array<i32>} : memref<80x64xi32, #tpu.memory_space<vmem>>, vector<16xi32>,
          %parallel_loop3A_153 = vector.bitcast %parallel_loop3A_152 : vector<16xi32> to vector<32xbf16>
          %parallel_loop3A_154 = arith.mulf %parallel_loop3A_149, %parallel_loop3A_153 : vector<32xbf16>
          %parallel_loop3A_155 = arith.addf %parallel_loop3A_135, %parallel_loop3A_154 : vector<32xbf16>
          %parallel_loop3A_156 = arith.addf %parallel_loop3A_145, %parallel_loop3A_155 : vector<32xbf16>
          %parallel_loop3A_157 = tpu.unpack_subelements %parallel_loop3A_156, 0 {pack_format = #tpu.pack_format<interleaved>} : vector<32xbf16> -> vector<16xf32>
          %parallel_loop3A_158 = tpu.unpack_subelements %parallel_loop3A_156, 1 {pack_format = #tpu.pack_format<interleaved>} : vector<32xbf16> -> vector<16xf32>
          %parallel_loop3A_159 = arith.addf %parallel_loop3A_157, %parallel_loop3A_158 : vector<16xf32>
          %parallel_loop3A_160 = arith.constant true
          %parallel_loop3A_161 = vector.broadcast %parallel_loop3A_160 : i1 to vector<16xi1>
          %parallel_loop3A_162 = tpu.scan <sum>, %parallel_loop3A_159 masked %parallel_loop3A_161 : vector<16xf32>, vector<16xi1> -> vector<16xf32>
          %parallel_loop3A_163 = arith.constant 80 : i32
          %parallel_loop3A_164 = arith.muli %scan3A_57, %parallel_loop3A_163 : i32
          %parallel_loop3A_165 = arith.addi %parallel_loop3A_164, %parallel_loop3A_111 : i32
          %parallel_loop3A_166 = arith.index_cast %parallel_loop3A_165 : i32 to index
          %parallel_loop3A_167 = tpu.vector_load %arg8[%parallel_loop3A_166] masked %eq3A_102 {strides = array<i32>} : memref<10016xf32, #tpu.memory_space<vmem>>, vector<16xf32>, vector<16xi1>
          tpu.vector_store %arg8[%parallel_loop3A_166], %parallel_loop3A_162 masked %eq3A_102 {strides = array<i32>} : memref<10016xf32, #tpu.memory_space<vmem>>, vector<16xf32>, vector<16xi1>
        } {sc.loop_unroll_factor = 4 : i64, sc.parallel_access}
        %add3A_105 = arith.constant 5 : i32
        %add3A_106 = arith.addi %scan3A_57, %add3A_105 : i32
        %lt3A = arith.constant 125 : i32
        %lt3A_107 = arith.cmpi slt, %add3A_106, %lt3A : i32
        %convert_element_type3A_108 = arith.extui %lt3A_107 : i1 to i32
        %cond3A_109 = arith.constant 0 : i32
        %cond3A_110 = arith.cmpi ne, %convert_element_type3A_108, %cond3A_109 : i32
        scf.if %cond3A_110 {
          %add3A_111 = arith.constant 5 : i32
          %add3A_112 = arith.addi %scan3A_57, %add3A_111 : i32
          %mul3A_113 = arith.constant 80 : i32
          %mul3A_114 = arith.muli %add3A_112, %mul3A_113 : i32
          %dma_start3A_115 = tpu.memref_slice %arg6[%mul3A_114] : memref<10000xi32, #tpu.memory_space<vmem>> -> memref<80xi32, #tpu.memory_space<vmem>>
          %dma_start3A_116 = arith.constant 0 : i32
          %dma_start3A_117 = arith.constant 0 : i32
          %dma_start3A_118 = tpu.memref_slice %arg2[%dma_start3A_116, %dma_start3A_117] : memref<10000x64xi32, #tpu.memory_space<hbm>> -> memref<10000x64xi32, #tpu.memory_space<hbm>>
          tpu.enqueue_indirect_dma source(%dma_start3A_118 : memref<10000x64xi32, #tpu.memory_space<hbm>>) target(%arg9 : memref<80x64xi32, #tpu.memory_space<vmem>>) offsets(%dma_start3A_115 : memref<80xi32, #tpu.memory_space<vmem>>) semaphore(%arg19 : memref<!tpu.dma_semaphore, #tpu.memory_space<semaphore_mem>>)
          %mul3A_119 = arith.constant 80 : i32
          %mul3A_120 = arith.muli %add3A_112, %mul3A_119 : i32
          %dma_start3A_121 = tpu.memref_slice %arg7[%mul3A_120] : memref<10000xi32, #tpu.memory_space<vmem>> -> memref<80xi32, #tpu.memory_space<vmem>>
          %dma_start3A_122 = arith.constant 0 : i32
          %dma_start3A_123 = arith.constant 0 : i32
          %dma_start3A_124 = tpu.memref_slice %arg2[%dma_start3A_122, %dma_start3A_123] : memref<10000x64xi32, #tpu.memory_space<hbm>> -> memref<10000x64xi32, #tpu.memory_space<hbm>>
          tpu.enqueue_indirect_dma source(%dma_start3A_124 : memref<10000x64xi32, #tpu.memory_space<hbm>>) target(%arg10 : memref<80x64xi32, #tpu.memory_space<vmem>>) offsets(%dma_start3A_121 : memref<80xi32, #tpu.memory_space<vmem>>) semaphore(%arg19 : memref<!tpu.dma_semaphore, #tpu.memory_space<semaphore_mem>>)
        } else {
        }
      } else {
      }
      %rem3A_61 = arith.constant 5 : i32
      %rem3A_62 = arith.remsi %scan3A_57, %rem3A_61 : i32
      %eq3A_63 = arith.constant 1 : i32
      %eq3A_64 = arith.cmpi eq, %rem3A_62, %eq3A_63 : i32
      %convert_element_type3A_65 = arith.extui %eq3A_64 : i1 to i32
      %cond3A_66 = arith.constant 0 : i32
      %cond3A_67 = arith.cmpi ne, %convert_element_type3A_65, %cond3A_66 : i32
      scf.if %cond3A_67 {
        %mul3A_89 = arith.constant 80 : i32
        %mul3A_90 = arith.muli %scan3A_57, %mul3A_89 : i32
        %dma_wait3A = tpu.memref_slice %arg6[%mul3A_90] : memref<10000xi32, #tpu.memory_space<vmem>> -> memref<80xi32, #tpu.memory_space<vmem>>
        %dma_wait3A_91 = arith.constant 0 : i32
        %dma_wait3A_92 = arith.constant 0 : i32
        %dma_wait3A_93 = tpu.memref_slice %arg2[%dma_wait3A_91, %dma_wait3A_92] : memref<10000x64xi32, #tpu.memory_space<hbm>> -> memref<10000x64xi32, #tpu.memory_space<hbm>>
        tpu.wait_indirect_dma semaphore(%arg20 : memref<!tpu.dma_semaphore, #tpu.memory_space<semaphore_mem>>) src(%dma_wait3A_93 : memref<10000x64xi32, #tpu.memory_space<hbm>>) dst(%arg11 : memref<80x64xi32, #tpu.memory_space<vmem>>)
        %mul3A_94 = arith.constant 80 : i32
        %mul3A_95 = arith.muli %scan3A_57, %mul3A_94 : i32
        %dma_wait3A_96 = tpu.memref_slice %arg7[%mul3A_95] : memref<10000xi32, #tpu.memory_space<vmem>> -> memref<80xi32, #tpu.memory_space<vmem>>
        %dma_wait3A_97 = arith.constant 0 : i32
        %dma_wait3A_98 = arith.constant 0 : i32
        %dma_wait3A_99 = tpu.memref_slice %arg2[%dma_wait3A_97, %dma_wait3A_98] : memref<10000x64xi32, #tpu.memory_space<hbm>> -> memref<10000x64xi32, #tpu.memory_space<hbm>>
        tpu.wait_indirect_dma semaphore(%arg20 : memref<!tpu.dma_semaphore, #tpu.memory_space<semaphore_mem>>) src(%dma_wait3A_99 : memref<10000x64xi32, #tpu.memory_space<hbm>>) dst(%arg12 : memref<80x64xi32, #tpu.memory_space<vmem>>)
        %iota3A = tpu.iota {dimensions = array<i32: 0>} : vector<16xi32>
        %eq3A_100 = arith.constant 15 : i32
        %eq3A_101 = vector.broadcast %eq3A_100 : i32 to vector<16xi32>
        %eq3A_102 = arith.cmpi eq, %iota3A, %eq3A_101 : vector<16xi32>
        %parallel_loop3A = arith.constant 0 : i32
        %parallel_loop3A_103 = arith.constant 80 : i32
        %parallel_loop3A_104 = arith.constant 1 : i32
        scf.for %parallel_loop3A_111 = %parallel_loop3A to %parallel_loop3A_103 step %parallel_loop3A_104  : i32 {
          %parallel_loop3A_112 = arith.constant 0.000000e+00 : bf16
          %parallel_loop3A_113 = vector.broadcast %parallel_loop3A_112 : bf16 to vector<32xbf16>
          %parallel_loop3A_114 = arith.constant 0.000000e+00 : bf16
          %parallel_loop3A_115 = vector.broadcast %parallel_loop3A_114 : bf16 to vector<32xbf16>
          %parallel_loop3A_116 = arith.index_cast %parallel_loop3A_111 : i32 to index
          %parallel_loop3A_117 = arith.constant 0 : index
          %parallel_loop3A_118 = tpu.vector_load %arg11[%parallel_loop3A_116, %parallel_loop3A_117] {strides = array<i32>} : memref<80x64xi32, #tpu.memory_space<vmem>>, vector<16xi32>,
          %parallel_loop3A_119 = vector.bitcast %parallel_loop3A_118 : vector<16xi32> to vector<32xbf16>
          %parallel_loop3A_120 = arith.index_cast %parallel_loop3A_111 : i32 to index
          %parallel_loop3A_121 = arith.constant 0 : index
          %parallel_loop3A_122 = tpu.vector_load %arg12[%parallel_loop3A_120, %parallel_loop3A_121] {strides = array<i32>} : memref<80x64xi32, #tpu.memory_space<vmem>>, vector<16xi32>,
          %parallel_loop3A_123 = vector.bitcast %parallel_loop3A_122 : vector<16xi32> to vector<32xbf16>
          %parallel_loop3A_124 = arith.mulf %parallel_loop3A_119, %parallel_loop3A_123 : vector<32xbf16>
          %parallel_loop3A_125 = arith.addf %parallel_loop3A_113, %parallel_loop3A_124 : vector<32xbf16>
          %parallel_loop3A_126 = arith.index_cast %parallel_loop3A_111 : i32 to index
          %parallel_loop3A_127 = arith.constant 16 : index
          %parallel_loop3A_128 = tpu.vector_load %arg11[%parallel_loop3A_126, %parallel_loop3A_127] {strides = array<i32>} : memref<80x64xi32, #tpu.memory_space<vmem>>, vector<16xi32>,
          %parallel_loop3A_129 = vector.bitcast %parallel_loop3A_128 : vector<16xi32> to vector<32xbf16>
          %parallel_loop3A_130 = arith.index_cast %parallel_loop3A_111 : i32 to index
          %parallel_loop3A_131 = arith.constant 16 : index
          %parallel_loop3A_132 = tpu.vector_load %arg12[%parallel_loop3A_130, %parallel_loop3A_131] {strides = array<i32>} : memref<80x64xi32, #tpu.memory_space<vmem>>, vector<16xi32>,
          %parallel_loop3A_133 = vector.bitcast %parallel_loop3A_132 : vector<16xi32> to vector<32xbf16>
          %parallel_loop3A_134 = arith.mulf %parallel_loop3A_129, %parallel_loop3A_133 : vector<32xbf16>
          %parallel_loop3A_135 = arith.addf %parallel_loop3A_115, %parallel_loop3A_134 : vector<32xbf16>
          %parallel_loop3A_136 = arith.index_cast %parallel_loop3A_111 : i32 to index
          %parallel_loop3A_137 = arith.constant 32 : index
          %parallel_loop3A_138 = tpu.vector_load %arg11[%parallel_loop3A_136, %parallel_loop3A_137] {strides = array<i32>} : memref<80x64xi32, #tpu.memory_space<vmem>>, vector<16xi32>,
          %parallel_loop3A_139 = vector.bitcast %parallel_loop3A_138 : vector<16xi32> to vector<32xbf16>
          %parallel_loop3A_140 = arith.index_cast %parallel_loop3A_111 : i32 to index
          %parallel_loop3A_141 = arith.constant 32 : index
          %parallel_loop3A_142 = tpu.vector_load %arg12[%parallel_loop3A_140, %parallel_loop3A_141] {strides = array<i32>} : memref<80x64xi32, #tpu.memory_space<vmem>>, vector<16xi32>,
          %parallel_loop3A_143 = vector.bitcast %parallel_loop3A_142 : vector<16xi32> to vector<32xbf16>
          %parallel_loop3A_144 = arith.mulf %parallel_loop3A_139, %parallel_loop3A_143 : vector<32xbf16>
          %parallel_loop3A_145 = arith.addf %parallel_loop3A_125, %parallel_loop3A_144 : vector<32xbf16>
          %parallel_loop3A_146 = arith.index_cast %parallel_loop3A_111 : i32 to index
          %parallel_loop3A_147 = arith.constant 48 : index
          %parallel_loop3A_148 = tpu.vector_load %arg11[%parallel_loop3A_146, %parallel_loop3A_147] {strides = array<i32>} : memref<80x64xi32, #tpu.memory_space<vmem>>, vector<16xi32>,
          %parallel_loop3A_149 = vector.bitcast %parallel_loop3A_148 : vector<16xi32> to vector<32xbf16>
          %parallel_loop3A_150 = arith.index_cast %parallel_loop3A_111 : i32 to index
          %parallel_loop3A_151 = arith.constant 48 : index
          %parallel_loop3A_152 = tpu.vector_load %arg12[%parallel_loop3A_150, %parallel_loop3A_151] {strides = array<i32>} : memref<80x64xi32, #tpu.memory_space<vmem>>, vector<16xi32>,
          %parallel_loop3A_153 = vector.bitcast %parallel_loop3A_152 : vector<16xi32> to vector<32xbf16>
          %parallel_loop3A_154 = arith.mulf %parallel_loop3A_149, %parallel_loop3A_153 : vector<32xbf16>
          %parallel_loop3A_155 = arith.addf %parallel_loop3A_135, %parallel_loop3A_154 : vector<32xbf16>
          %parallel_loop3A_156 = arith.addf %parallel_loop3A_145, %parallel_loop3A_155 : vector<32xbf16>
          %parallel_loop3A_157 = tpu.unpack_subelements %parallel_loop3A_156, 0 {pack_format = #tpu.pack_format<interleaved>} : vector<32xbf16> -> vector<16xf32>
          %parallel_loop3A_158 = tpu.unpack_subelements %parallel_loop3A_156, 1 {pack_format = #tpu.pack_format<interleaved>} : vector<32xbf16> -> vector<16xf32>
          %parallel_loop3A_159 = arith.addf %parallel_loop3A_157, %parallel_loop3A_158 : vector<16xf32>
          %parallel_loop3A_160 = arith.constant true
          %parallel_loop3A_161 = vector.broadcast %parallel_loop3A_160 : i1 to vector<16xi1>
          %parallel_loop3A_162 = tpu.scan <sum>, %parallel_loop3A_159 masked %parallel_loop3A_161 : vector<16xf32>, vector<16xi1> -> vector<16xf32>
          %parallel_loop3A_163 = arith.constant 80 : i32
          %parallel_loop3A_164 = arith.muli %scan3A_57, %parallel_loop3A_163 : i32
          %parallel_loop3A_165 = arith.addi %parallel_loop3A_164, %parallel_loop3A_111 : i32
          %parallel_loop3A_166 = arith.index_cast %parallel_loop3A_165 : i32 to index
          %parallel_loop3A_167 = tpu.vector_load %arg8[%parallel_loop3A_166] masked %eq3A_102 {strides = array<i32>} : memref<10016xf32, #tpu.memory_space<vmem>>, vector<16xf32>, vector<16xi1>
          tpu.vector_store %arg8[%parallel_loop3A_166], %parallel_loop3A_162 masked %eq3A_102 {strides = array<i32>} : memref<10016xf32, #tpu.memory_space<vmem>>, vector<16xf32>, vector<16xi1>
        } {sc.loop_unroll_factor = 4 : i64, sc.parallel_access}
        %add3A_105 = arith.constant 5 : i32
        %add3A_106 = arith.addi %scan3A_57, %add3A_105 : i32
        %lt3A = arith.constant 125 : i32
        %lt3A_107 = arith.cmpi slt, %add3A_106, %lt3A : i32
        %convert_element_type3A_108 = arith.extui %lt3A_107 : i1 to i32
        %cond3A_109 = arith.constant 0 : i32
        %cond3A_110 = arith.cmpi ne, %convert_element_type3A_108, %cond3A_109 : i32
        scf.if %cond3A_110 {
          %add3A_111 = arith.constant 5 : i32
          %add3A_112 = arith.addi %scan3A_57, %add3A_111 : i32
          %mul3A_113 = arith.constant 80 : i32
          %mul3A_114 = arith.muli %add3A_112, %mul3A_113 : i32
          %dma_start3A_115 = tpu.memref_slice %arg6[%mul3A_114] : memref<10000xi32, #tpu.memory_space<vmem>> -> memref<80xi32, #tpu.memory_space<vmem>>
          %dma_start3A_116 = arith.constant 0 : i32
          %dma_start3A_117 = arith.constant 0 : i32
          %dma_start3A_118 = tpu.memref_slice %arg2[%dma_start3A_116, %dma_start3A_117] : memref<10000x64xi32, #tpu.memory_space<hbm>> -> memref<10000x64xi32, #tpu.memory_space<hbm>>
          tpu.enqueue_indirect_dma source(%dma_start3A_118 : memref<10000x64xi32, #tpu.memory_space<hbm>>) target(%arg11 : memref<80x64xi32, #tpu.memory_space<vmem>>) offsets(%dma_start3A_115 : memref<80xi32, #tpu.memory_space<vmem>>) semaphore(%arg20 : memref<!tpu.dma_semaphore, #tpu.memory_space<semaphore_mem>>)
          %mul3A_119 = arith.constant 80 : i32
          %mul3A_120 = arith.muli %add3A_112, %mul3A_119 : i32
          %dma_start3A_121 = tpu.memref_slice %arg7[%mul3A_120] : memref<10000xi32, #tpu.memory_space<vmem>> -> memref<80xi32, #tpu.memory_space<vmem>>
          %dma_start3A_122 = arith.constant 0 : i32
          %dma_start3A_123 = arith.constant 0 : i32
          %dma_start3A_124 = tpu.memref_slice %arg2[%dma_start3A_122, %dma_start3A_123] : memref<10000x64xi32, #tpu.memory_space<hbm>> -> memref<10000x64xi32, #tpu.memory_space<hbm>>
          tpu.enqueue_indirect_dma source(%dma_start3A_124 : memref<10000x64xi32, #tpu.memory_space<hbm>>) target(%arg12 : memref<80x64xi32, #tpu.memory_space<vmem>>) offsets(%dma_start3A_121 : memref<80xi32, #tpu.memory_space<vmem>>) semaphore(%arg20 : memref<!tpu.dma_semaphore, #tpu.memory_space<semaphore_mem>>)
        } else {
        }
      } else {
      }
      %rem3A_68 = arith.constant 5 : i32
      %rem3A_69 = arith.remsi %scan3A_57, %rem3A_68 : i32
      %eq3A_70 = arith.constant 2 : i32
      %eq3A_71 = arith.cmpi eq, %rem3A_69, %eq3A_70 : i32
      %convert_element_type3A_72 = arith.extui %eq3A_71 : i1 to i32
      %cond3A_73 = arith.constant 0 : i32
      %cond3A_74 = arith.cmpi ne, %convert_element_type3A_72, %cond3A_73 : i32
      scf.if %cond3A_74 {
        %mul3A_89 = arith.constant 80 : i32
        %mul3A_90 = arith.muli %scan3A_57, %mul3A_89 : i32
        %dma_wait3A = tpu.memref_slice %arg6[%mul3A_90] : memref<10000xi32, #tpu.memory_space<vmem>> -> memref<80xi32, #tpu.memory_space<vmem>>
        %dma_wait3A_91 = arith.constant 0 : i32
        %dma_wait3A_92 = arith.constant 0 : i32
        %dma_wait3A_93 = tpu.memref_slice %arg2[%dma_wait3A_91, %dma_wait3A_92] : memref<10000x64xi32, #tpu.memory_space<hbm>> -> memref<10000x64xi32, #tpu.memory_space<hbm>>
        tpu.wait_indirect_dma semaphore(%arg21 : memref<!tpu.dma_semaphore, #tpu.memory_space<semaphore_mem>>) src(%dma_wait3A_93 : memref<10000x64xi32, #tpu.memory_space<hbm>>) dst(%arg13 : memref<80x64xi32, #tpu.memory_space<vmem>>)
        %mul3A_94 = arith.constant 80 : i32
        %mul3A_95 = arith.muli %scan3A_57, %mul3A_94 : i32
        %dma_wait3A_96 = tpu.memref_slice %arg7[%mul3A_95] : memref<10000xi32, #tpu.memory_space<vmem>> -> memref<80xi32, #tpu.memory_space<vmem>>
        %dma_wait3A_97 = arith.constant 0 : i32
        %dma_wait3A_98 = arith.constant 0 : i32
        %dma_wait3A_99 = tpu.memref_slice %arg2[%dma_wait3A_97, %dma_wait3A_98] : memref<10000x64xi32, #tpu.memory_space<hbm>> -> memref<10000x64xi32, #tpu.memory_space<hbm>>
        tpu.wait_indirect_dma semaphore(%arg21 : memref<!tpu.dma_semaphore, #tpu.memory_space<semaphore_mem>>) src(%dma_wait3A_99 : memref<10000x64xi32, #tpu.memory_space<hbm>>) dst(%arg14 : memref<80x64xi32, #tpu.memory_space<vmem>>)
        %iota3A = tpu.iota {dimensions = array<i32: 0>} : vector<16xi32>
        %eq3A_100 = arith.constant 15 : i32
        %eq3A_101 = vector.broadcast %eq3A_100 : i32 to vector<16xi32>
        %eq3A_102 = arith.cmpi eq, %iota3A, %eq3A_101 : vector<16xi32>
        %parallel_loop3A = arith.constant 0 : i32
        %parallel_loop3A_103 = arith.constant 80 : i32
        %parallel_loop3A_104 = arith.constant 1 : i32
        scf.for %parallel_loop3A_111 = %parallel_loop3A to %parallel_loop3A_103 step %parallel_loop3A_104  : i32 {
          %parallel_loop3A_112 = arith.constant 0.000000e+00 : bf16
          %parallel_loop3A_113 = vector.broadcast %parallel_loop3A_112 : bf16 to vector<32xbf16>
          %parallel_loop3A_114 = arith.constant 0.000000e+00 : bf16
          %parallel_loop3A_115 = vector.broadcast %parallel_loop3A_114 : bf16 to vector<32xbf16>
          %parallel_loop3A_116 = arith.index_cast %parallel_loop3A_111 : i32 to index
          %parallel_loop3A_117 = arith.constant 0 : index
          %parallel_loop3A_118 = tpu.vector_load %arg13[%parallel_loop3A_116, %parallel_loop3A_117] {strides = array<i32>} : memref<80x64xi32, #tpu.memory_space<vmem>>, vector<16xi32>,
          %parallel_loop3A_119 = vector.bitcast %parallel_loop3A_118 : vector<16xi32> to vector<32xbf16>
          %parallel_loop3A_120 = arith.index_cast %parallel_loop3A_111 : i32 to index
          %parallel_loop3A_121 = arith.constant 0 : index
          %parallel_loop3A_122 = tpu.vector_load %arg14[%parallel_loop3A_120, %parallel_loop3A_121] {strides = array<i32>} : memref<80x64xi32, #tpu.memory_space<vmem>>, vector<16xi32>,
          %parallel_loop3A_123 = vector.bitcast %parallel_loop3A_122 : vector<16xi32> to vector<32xbf16>
          %parallel_loop3A_124 = arith.mulf %parallel_loop3A_119, %parallel_loop3A_123 : vector<32xbf16>
          %parallel_loop3A_125 = arith.addf %parallel_loop3A_113, %parallel_loop3A_124 : vector<32xbf16>
          %parallel_loop3A_126 = arith.index_cast %parallel_loop3A_111 : i32 to index
          %parallel_loop3A_127 = arith.constant 16 : index
          %parallel_loop3A_128 = tpu.vector_load %arg13[%parallel_loop3A_126, %parallel_loop3A_127] {strides = array<i32>} : memref<80x64xi32, #tpu.memory_space<vmem>>, vector<16xi32>,
          %parallel_loop3A_129 = vector.bitcast %parallel_loop3A_128 : vector<16xi32> to vector<32xbf16>
          %parallel_loop3A_130 = arith.index_cast %parallel_loop3A_111 : i32 to index
          %parallel_loop3A_131 = arith.constant 16 : index
          %parallel_loop3A_132 = tpu.vector_load %arg14[%parallel_loop3A_130, %parallel_loop3A_131] {strides = array<i32>} : memref<80x64xi32, #tpu.memory_space<vmem>>, vector<16xi32>,
          %parallel_loop3A_133 = vector.bitcast %parallel_loop3A_132 : vector<16xi32> to vector<32xbf16>
          %parallel_loop3A_134 = arith.mulf %parallel_loop3A_129, %parallel_loop3A_133 : vector<32xbf16>
          %parallel_loop3A_135 = arith.addf %parallel_loop3A_115, %parallel_loop3A_134 : vector<32xbf16>
          %parallel_loop3A_136 = arith.index_cast %parallel_loop3A_111 : i32 to index
          %parallel_loop3A_137 = arith.constant 32 : index
          %parallel_loop3A_138 = tpu.vector_load %arg13[%parallel_loop3A_136, %parallel_loop3A_137] {strides = array<i32>} : memref<80x64xi32, #tpu.memory_space<vmem>>, vector<16xi32>,
          %parallel_loop3A_139 = vector.bitcast %parallel_loop3A_138 : vector<16xi32> to vector<32xbf16>
          %parallel_loop3A_140 = arith.index_cast %parallel_loop3A_111 : i32 to index
          %parallel_loop3A_141 = arith.constant 32 : index
          %parallel_loop3A_142 = tpu.vector_load %arg14[%parallel_loop3A_140, %parallel_loop3A_141] {strides = array<i32>} : memref<80x64xi32, #tpu.memory_space<vmem>>, vector<16xi32>,
          %parallel_loop3A_143 = vector.bitcast %parallel_loop3A_142 : vector<16xi32> to vector<32xbf16>
          %parallel_loop3A_144 = arith.mulf %parallel_loop3A_139, %parallel_loop3A_143 : vector<32xbf16>
          %parallel_loop3A_145 = arith.addf %parallel_loop3A_125, %parallel_loop3A_144 : vector<32xbf16>
          %parallel_loop3A_146 = arith.index_cast %parallel_loop3A_111 : i32 to index
          %parallel_loop3A_147 = arith.constant 48 : index
          %parallel_loop3A_148 = tpu.vector_load %arg13[%parallel_loop3A_146, %parallel_loop3A_147] {strides = array<i32>} : memref<80x64xi32, #tpu.memory_space<vmem>>, vector<16xi32>,
          %parallel_loop3A_149 = vector.bitcast %parallel_loop3A_148 : vector<16xi32> to vector<32xbf16>
          %parallel_loop3A_150 = arith.index_cast %parallel_loop3A_111 : i32 to index
          %parallel_loop3A_151 = arith.constant 48 : index
          %parallel_loop3A_152 = tpu.vector_load %arg14[%parallel_loop3A_150, %parallel_loop3A_151] {strides = array<i32>} : memref<80x64xi32, #tpu.memory_space<vmem>>, vector<16xi32>,
          %parallel_loop3A_153 = vector.bitcast %parallel_loop3A_152 : vector<16xi32> to vector<32xbf16>
          %parallel_loop3A_154 = arith.mulf %parallel_loop3A_149, %parallel_loop3A_153 : vector<32xbf16>
          %parallel_loop3A_155 = arith.addf %parallel_loop3A_135, %parallel_loop3A_154 : vector<32xbf16>
          %parallel_loop3A_156 = arith.addf %parallel_loop3A_145, %parallel_loop3A_155 : vector<32xbf16>
          %parallel_loop3A_157 = tpu.unpack_subelements %parallel_loop3A_156, 0 {pack_format = #tpu.pack_format<interleaved>} : vector<32xbf16> -> vector<16xf32>
          %parallel_loop3A_158 = tpu.unpack_subelements %parallel_loop3A_156, 1 {pack_format = #tpu.pack_format<interleaved>} : vector<32xbf16> -> vector<16xf32>
          %parallel_loop3A_159 = arith.addf %parallel_loop3A_157, %parallel_loop3A_158 : vector<16xf32>
          %parallel_loop3A_160 = arith.constant true
          %parallel_loop3A_161 = vector.broadcast %parallel_loop3A_160 : i1 to vector<16xi1>
          %parallel_loop3A_162 = tpu.scan <sum>, %parallel_loop3A_159 masked %parallel_loop3A_161 : vector<16xf32>, vector<16xi1> -> vector<16xf32>
          %parallel_loop3A_163 = arith.constant 80 : i32
          %parallel_loop3A_164 = arith.muli %scan3A_57, %parallel_loop3A_163 : i32
          %parallel_loop3A_165 = arith.addi %parallel_loop3A_164, %parallel_loop3A_111 : i32
          %parallel_loop3A_166 = arith.index_cast %parallel_loop3A_165 : i32 to index
          %parallel_loop3A_167 = tpu.vector_load %arg8[%parallel_loop3A_166] masked %eq3A_102 {strides = array<i32>} : memref<10016xf32, #tpu.memory_space<vmem>>, vector<16xf32>, vector<16xi1>
          tpu.vector_store %arg8[%parallel_loop3A_166], %parallel_loop3A_162 masked %eq3A_102 {strides = array<i32>} : memref<10016xf32, #tpu.memory_space<vmem>>, vector<16xf32>, vector<16xi1>
        } {sc.loop_unroll_factor = 4 : i64, sc.parallel_access}
        %add3A_105 = arith.constant 5 : i32
        %add3A_106 = arith.addi %scan3A_57, %add3A_105 : i32
        %lt3A = arith.constant 125 : i32
        %lt3A_107 = arith.cmpi slt, %add3A_106, %lt3A : i32
        %convert_element_type3A_108 = arith.extui %lt3A_107 : i1 to i32
        %cond3A_109 = arith.constant 0 : i32
        %cond3A_110 = arith.cmpi ne, %convert_element_type3A_108, %cond3A_109 : i32
        scf.if %cond3A_110 {
          %add3A_111 = arith.constant 5 : i32
          %add3A_112 = arith.addi %scan3A_57, %add3A_111 : i32
          %mul3A_113 = arith.constant 80 : i32
          %mul3A_114 = arith.muli %add3A_112, %mul3A_113 : i32
          %dma_start3A_115 = tpu.memref_slice %arg6[%mul3A_114] : memref<10000xi32, #tpu.memory_space<vmem>> -> memref<80xi32, #tpu.memory_space<vmem>>
          %dma_start3A_116 = arith.constant 0 : i32
          %dma_start3A_117 = arith.constant 0 : i32
          %dma_start3A_118 = tpu.memref_slice %arg2[%dma_start3A_116, %dma_start3A_117] : memref<10000x64xi32, #tpu.memory_space<hbm>> -> memref<10000x64xi32, #tpu.memory_space<hbm>>
          tpu.enqueue_indirect_dma source(%dma_start3A_118 : memref<10000x64xi32, #tpu.memory_space<hbm>>) target(%arg13 : memref<80x64xi32, #tpu.memory_space<vmem>>) offsets(%dma_start3A_115 : memref<80xi32, #tpu.memory_space<vmem>>) semaphore(%arg21 : memref<!tpu.dma_semaphore, #tpu.memory_space<semaphore_mem>>)
          %mul3A_119 = arith.constant 80 : i32
          %mul3A_120 = arith.muli %add3A_112, %mul3A_119 : i32
          %dma_start3A_121 = tpu.memref_slice %arg7[%mul3A_120] : memref<10000xi32, #tpu.memory_space<vmem>> -> memref<80xi32, #tpu.memory_space<vmem>>
          %dma_start3A_122 = arith.constant 0 : i32
          %dma_start3A_123 = arith.constant 0 : i32
          %dma_start3A_124 = tpu.memref_slice %arg2[%dma_start3A_122, %dma_start3A_123] : memref<10000x64xi32, #tpu.memory_space<hbm>> -> memref<10000x64xi32, #tpu.memory_space<hbm>>
          tpu.enqueue_indirect_dma source(%dma_start3A_124 : memref<10000x64xi32, #tpu.memory_space<hbm>>) target(%arg14 : memref<80x64xi32, #tpu.memory_space<vmem>>) offsets(%dma_start3A_121 : memref<80xi32, #tpu.memory_space<vmem>>) semaphore(%arg21 : memref<!tpu.dma_semaphore, #tpu.memory_space<semaphore_mem>>)
        } else {
        }
      } else {
      }
      %rem3A_75 = arith.constant 5 : i32
      %rem3A_76 = arith.remsi %scan3A_57, %rem3A_75 : i32
      %eq3A_77 = arith.constant 3 : i32
      %eq3A_78 = arith.cmpi eq, %rem3A_76, %eq3A_77 : i32
      %convert_element_type3A_79 = arith.extui %eq3A_78 : i1 to i32
      %cond3A_80 = arith.constant 0 : i32
      %cond3A_81 = arith.cmpi ne, %convert_element_type3A_79, %cond3A_80 : i32
      scf.if %cond3A_81 {
        %mul3A_89 = arith.constant 80 : i32
        %mul3A_90 = arith.muli %scan3A_57, %mul3A_89 : i32
        %dma_wait3A = tpu.memref_slice %arg6[%mul3A_90] : memref<10000xi32, #tpu.memory_space<vmem>> -> memref<80xi32, #tpu.memory_space<vmem>>
        %dma_wait3A_91 = arith.constant 0 : i32
        %dma_wait3A_92 = arith.constant 0 : i32
        %dma_wait3A_93 = tpu.memref_slice %arg2[%dma_wait3A_91, %dma_wait3A_92] : memref<10000x64xi32, #tpu.memory_space<hbm>> -> memref<10000x64xi32, #tpu.memory_space<hbm>>
        tpu.wait_indirect_dma semaphore(%arg22 : memref<!tpu.dma_semaphore, #tpu.memory_space<semaphore_mem>>) src(%dma_wait3A_93 : memref<10000x64xi32, #tpu.memory_space<hbm>>) dst(%arg15 : memref<80x64xi32, #tpu.memory_space<vmem>>)
        %mul3A_94 = arith.constant 80 : i32
        %mul3A_95 = arith.muli %scan3A_57, %mul3A_94 : i32
        %dma_wait3A_96 = tpu.memref_slice %arg7[%mul3A_95] : memref<10000xi32, #tpu.memory_space<vmem>> -> memref<80xi32, #tpu.memory_space<vmem>>
        %dma_wait3A_97 = arith.constant 0 : i32
        %dma_wait3A_98 = arith.constant 0 : i32
        %dma_wait3A_99 = tpu.memref_slice %arg2[%dma_wait3A_97, %dma_wait3A_98] : memref<10000x64xi32, #tpu.memory_space<hbm>> -> memref<10000x64xi32, #tpu.memory_space<hbm>>
        tpu.wait_indirect_dma semaphore(%arg22 : memref<!tpu.dma_semaphore, #tpu.memory_space<semaphore_mem>>) src(%dma_wait3A_99 : memref<10000x64xi32, #tpu.memory_space<hbm>>) dst(%arg16 : memref<80x64xi32, #tpu.memory_space<vmem>>)
        %iota3A = tpu.iota {dimensions = array<i32: 0>} : vector<16xi32>
        %eq3A_100 = arith.constant 15 : i32
        %eq3A_101 = vector.broadcast %eq3A_100 : i32 to vector<16xi32>
        %eq3A_102 = arith.cmpi eq, %iota3A, %eq3A_101 : vector<16xi32>
        %parallel_loop3A = arith.constant 0 : i32
        %parallel_loop3A_103 = arith.constant 80 : i32
        %parallel_loop3A_104 = arith.constant 1 : i32
        scf.for %parallel_loop3A_111 = %parallel_loop3A to %parallel_loop3A_103 step %parallel_loop3A_104  : i32 {
          %parallel_loop3A_112 = arith.constant 0.000000e+00 : bf16
          %parallel_loop3A_113 = vector.broadcast %parallel_loop3A_112 : bf16 to vector<32xbf16>
          %parallel_loop3A_114 = arith.constant 0.000000e+00 : bf16
          %parallel_loop3A_115 = vector.broadcast %parallel_loop3A_114 : bf16 to vector<32xbf16>
          %parallel_loop3A_116 = arith.index_cast %parallel_loop3A_111 : i32 to index
          %parallel_loop3A_117 = arith.constant 0 : index
          %parallel_loop3A_118 = tpu.vector_load %arg15[%parallel_loop3A_116, %parallel_loop3A_117] {strides = array<i32>} : memref<80x64xi32, #tpu.memory_space<vmem>>, vector<16xi32>,
          %parallel_loop3A_119 = vector.bitcast %parallel_loop3A_118 : vector<16xi32> to vector<32xbf16>
          %parallel_loop3A_120 = arith.index_cast %parallel_loop3A_111 : i32 to index
          %parallel_loop3A_121 = arith.constant 0 : index
          %parallel_loop3A_122 = tpu.vector_load %arg16[%parallel_loop3A_120, %parallel_loop3A_121] {strides = array<i32>} : memref<80x64xi32, #tpu.memory_space<vmem>>, vector<16xi32>,
          %parallel_loop3A_123 = vector.bitcast %parallel_loop3A_122 : vector<16xi32> to vector<32xbf16>
          %parallel_loop3A_124 = arith.mulf %parallel_loop3A_119, %parallel_loop3A_123 : vector<32xbf16>
          %parallel_loop3A_125 = arith.addf %parallel_loop3A_113, %parallel_loop3A_124 : vector<32xbf16>
          %parallel_loop3A_126 = arith.index_cast %parallel_loop3A_111 : i32 to index
          %parallel_loop3A_127 = arith.constant 16 : index
          %parallel_loop3A_128 = tpu.vector_load %arg15[%parallel_loop3A_126, %parallel_loop3A_127] {strides = array<i32>} : memref<80x64xi32, #tpu.memory_space<vmem>>, vector<16xi32>,
          %parallel_loop3A_129 = vector.bitcast %parallel_loop3A_128 : vector<16xi32> to vector<32xbf16>
          %parallel_loop3A_130 = arith.index_cast %parallel_loop3A_111 : i32 to index
          %parallel_loop3A_131 = arith.constant 16 : index
          %parallel_loop3A_132 = tpu.vector_load %arg16[%parallel_loop3A_130, %parallel_loop3A_131] {strides = array<i32>} : memref<80x64xi32, #tpu.memory_space<vmem>>, vector<16xi32>,
          %parallel_loop3A_133 = vector.bitcast %parallel_loop3A_132 : vector<16xi32> to vector<32xbf16>
          %parallel_loop3A_134 = arith.mulf %parallel_loop3A_129, %parallel_loop3A_133 : vector<32xbf16>
          %parallel_loop3A_135 = arith.addf %parallel_loop3A_115, %parallel_loop3A_134 : vector<32xbf16>
          %parallel_loop3A_136 = arith.index_cast %parallel_loop3A_111 : i32 to index
          %parallel_loop3A_137 = arith.constant 32 : index
          %parallel_loop3A_138 = tpu.vector_load %arg15[%parallel_loop3A_136, %parallel_loop3A_137] {strides = array<i32>} : memref<80x64xi32, #tpu.memory_space<vmem>>, vector<16xi32>,
          %parallel_loop3A_139 = vector.bitcast %parallel_loop3A_138 : vector<16xi32> to vector<32xbf16>
          %parallel_loop3A_140 = arith.index_cast %parallel_loop3A_111 : i32 to index
          %parallel_loop3A_141 = arith.constant 32 : index
          %parallel_loop3A_142 = tpu.vector_load %arg16[%parallel_loop3A_140, %parallel_loop3A_141] {strides = array<i32>} : memref<80x64xi32, #tpu.memory_space<vmem>>, vector<16xi32>,
          %parallel_loop3A_143 = vector.bitcast %parallel_loop3A_142 : vector<16xi32> to vector<32xbf16>
          %parallel_loop3A_144 = arith.mulf %parallel_loop3A_139, %parallel_loop3A_143 : vector<32xbf16>
          %parallel_loop3A_145 = arith.addf %parallel_loop3A_125, %parallel_loop3A_144 : vector<32xbf16>
          %parallel_loop3A_146 = arith.index_cast %parallel_loop3A_111 : i32 to index
          %parallel_loop3A_147 = arith.constant 48 : index
          %parallel_loop3A_148 = tpu.vector_load %arg15[%parallel_loop3A_146, %parallel_loop3A_147] {strides = array<i32>} : memref<80x64xi32, #tpu.memory_space<vmem>>, vector<16xi32>,
          %parallel_loop3A_149 = vector.bitcast %parallel_loop3A_148 : vector<16xi32> to vector<32xbf16>
          %parallel_loop3A_150 = arith.index_cast %parallel_loop3A_111 : i32 to index
          %parallel_loop3A_151 = arith.constant 48 : index
          %parallel_loop3A_152 = tpu.vector_load %arg16[%parallel_loop3A_150, %parallel_loop3A_151] {strides = array<i32>} : memref<80x64xi32, #tpu.memory_space<vmem>>, vector<16xi32>,
          %parallel_loop3A_153 = vector.bitcast %parallel_loop3A_152 : vector<16xi32> to vector<32xbf16>
          %parallel_loop3A_154 = arith.mulf %parallel_loop3A_149, %parallel_loop3A_153 : vector<32xbf16>
          %parallel_loop3A_155 = arith.addf %parallel_loop3A_135, %parallel_loop3A_154 : vector<32xbf16>
          %parallel_loop3A_156 = arith.addf %parallel_loop3A_145, %parallel_loop3A_155 : vector<32xbf16>
          %parallel_loop3A_157 = tpu.unpack_subelements %parallel_loop3A_156, 0 {pack_format = #tpu.pack_format<interleaved>} : vector<32xbf16> -> vector<16xf32>
          %parallel_loop3A_158 = tpu.unpack_subelements %parallel_loop3A_156, 1 {pack_format = #tpu.pack_format<interleaved>} : vector<32xbf16> -> vector<16xf32>
          %parallel_loop3A_159 = arith.addf %parallel_loop3A_157, %parallel_loop3A_158 : vector<16xf32>
          %parallel_loop3A_160 = arith.constant true
          %parallel_loop3A_161 = vector.broadcast %parallel_loop3A_160 : i1 to vector<16xi1>
          %parallel_loop3A_162 = tpu.scan <sum>, %parallel_loop3A_159 masked %parallel_loop3A_161 : vector<16xf32>, vector<16xi1> -> vector<16xf32>
          %parallel_loop3A_163 = arith.constant 80 : i32
          %parallel_loop3A_164 = arith.muli %scan3A_57, %parallel_loop3A_163 : i32
          %parallel_loop3A_165 = arith.addi %parallel_loop3A_164, %parallel_loop3A_111 : i32
          %parallel_loop3A_166 = arith.index_cast %parallel_loop3A_165 : i32 to index
          %parallel_loop3A_167 = tpu.vector_load %arg8[%parallel_loop3A_166] masked %eq3A_102 {strides = array<i32>} : memref<10016xf32, #tpu.memory_space<vmem>>, vector<16xf32>, vector<16xi1>
          tpu.vector_store %arg8[%parallel_loop3A_166], %parallel_loop3A_162 masked %eq3A_102 {strides = array<i32>} : memref<10016xf32, #tpu.memory_space<vmem>>, vector<16xf32>, vector<16xi1>
        } {sc.loop_unroll_factor = 4 : i64, sc.parallel_access}
        %add3A_105 = arith.constant 5 : i32
        %add3A_106 = arith.addi %scan3A_57, %add3A_105 : i32
        %lt3A = arith.constant 125 : i32
        %lt3A_107 = arith.cmpi slt, %add3A_106, %lt3A : i32
        %convert_element_type3A_108 = arith.extui %lt3A_107 : i1 to i32
        %cond3A_109 = arith.constant 0 : i32
        %cond3A_110 = arith.cmpi ne, %convert_element_type3A_108, %cond3A_109 : i32
        scf.if %cond3A_110 {
          %add3A_111 = arith.constant 5 : i32
          %add3A_112 = arith.addi %scan3A_57, %add3A_111 : i32
          %mul3A_113 = arith.constant 80 : i32
          %mul3A_114 = arith.muli %add3A_112, %mul3A_113 : i32
          %dma_start3A_115 = tpu.memref_slice %arg6[%mul3A_114] : memref<10000xi32, #tpu.memory_space<vmem>> -> memref<80xi32, #tpu.memory_space<vmem>>
          %dma_start3A_116 = arith.constant 0 : i32
          %dma_start3A_117 = arith.constant 0 : i32
          %dma_start3A_118 = tpu.memref_slice %arg2[%dma_start3A_116, %dma_start3A_117] : memref<10000x64xi32, #tpu.memory_space<hbm>> -> memref<10000x64xi32, #tpu.memory_space<hbm>>
          tpu.enqueue_indirect_dma source(%dma_start3A_118 : memref<10000x64xi32, #tpu.memory_space<hbm>>) target(%arg15 : memref<80x64xi32, #tpu.memory_space<vmem>>) offsets(%dma_start3A_115 : memref<80xi32, #tpu.memory_space<vmem>>) semaphore(%arg22 : memref<!tpu.dma_semaphore, #tpu.memory_space<semaphore_mem>>)
          %mul3A_119 = arith.constant 80 : i32
          %mul3A_120 = arith.muli %add3A_112, %mul3A_119 : i32
          %dma_start3A_121 = tpu.memref_slice %arg7[%mul3A_120] : memref<10000xi32, #tpu.memory_space<vmem>> -> memref<80xi32, #tpu.memory_space<vmem>>
          %dma_start3A_122 = arith.constant 0 : i32
          %dma_start3A_123 = arith.constant 0 : i32
          %dma_start3A_124 = tpu.memref_slice %arg2[%dma_start3A_122, %dma_start3A_123] : memref<10000x64xi32, #tpu.memory_space<hbm>> -> memref<10000x64xi32, #tpu.memory_space<hbm>>
          tpu.enqueue_indirect_dma source(%dma_start3A_124 : memref<10000x64xi32, #tpu.memory_space<hbm>>) target(%arg16 : memref<80x64xi32, #tpu.memory_space<vmem>>) offsets(%dma_start3A_121 : memref<80xi32, #tpu.memory_space<vmem>>) semaphore(%arg22 : memref<!tpu.dma_semaphore, #tpu.memory_space<semaphore_mem>>)
        } else {
        }
      } else {
      }
      %rem3A_82 = arith.constant 5 : i32
      %rem3A_83 = arith.remsi %scan3A_57, %rem3A_82 : i32
      %eq3A_84 = arith.constant 4 : i32
      %eq3A_85 = arith.cmpi eq, %rem3A_83, %eq3A_84 : i32
      %convert_element_type3A_86 = arith.extui %eq3A_85 : i1 to i32
      %cond3A_87 = arith.constant 0 : i32
      %cond3A_88 = arith.cmpi ne, %convert_element_type3A_86, %cond3A_87 : i32
      scf.if %cond3A_88 {
        %mul3A_89 = arith.constant 80 : i32
        %mul3A_90 = arith.muli %scan3A_57, %mul3A_89 : i32
        %dma_wait3A = tpu.memref_slice %arg6[%mul3A_90] : memref<10000xi32, #tpu.memory_space<vmem>> -> memref<80xi32, #tpu.memory_space<vmem>>
        %dma_wait3A_91 = arith.constant 0 : i32
        %dma_wait3A_92 = arith.constant 0 : i32
        %dma_wait3A_93 = tpu.memref_slice %arg2[%dma_wait3A_91, %dma_wait3A_92] : memref<10000x64xi32, #tpu.memory_space<hbm>> -> memref<10000x64xi32, #tpu.memory_space<hbm>>
        tpu.wait_indirect_dma semaphore(%arg23 : memref<!tpu.dma_semaphore, #tpu.memory_space<semaphore_mem>>) src(%dma_wait3A_93 : memref<10000x64xi32, #tpu.memory_space<hbm>>) dst(%arg17 : memref<80x64xi32, #tpu.memory_space<vmem>>)
        %mul3A_94 = arith.constant 80 : i32
        %mul3A_95 = arith.muli %scan3A_57, %mul3A_94 : i32
        %dma_wait3A_96 = tpu.memref_slice %arg7[%mul3A_95] : memref<10000xi32, #tpu.memory_space<vmem>> -> memref<80xi32, #tpu.memory_space<vmem>>
        %dma_wait3A_97 = arith.constant 0 : i32
        %dma_wait3A_98 = arith.constant 0 : i32
        %dma_wait3A_99 = tpu.memref_slice %arg2[%dma_wait3A_97, %dma_wait3A_98] : memref<10000x64xi32, #tpu.memory_space<hbm>> -> memref<10000x64xi32, #tpu.memory_space<hbm>>
        tpu.wait_indirect_dma semaphore(%arg23 : memref<!tpu.dma_semaphore, #tpu.memory_space<semaphore_mem>>) src(%dma_wait3A_99 : memref<10000x64xi32, #tpu.memory_space<hbm>>) dst(%arg18 : memref<80x64xi32, #tpu.memory_space<vmem>>)
        %iota3A = tpu.iota {dimensions = array<i32: 0>} : vector<16xi32>
        %eq3A_100 = arith.constant 15 : i32
        %eq3A_101 = vector.broadcast %eq3A_100 : i32 to vector<16xi32>
        %eq3A_102 = arith.cmpi eq, %iota3A, %eq3A_101 : vector<16xi32>
        %parallel_loop3A = arith.constant 0 : i32
        %parallel_loop3A_103 = arith.constant 80 : i32
        %parallel_loop3A_104 = arith.constant 1 : i32
        scf.for %parallel_loop3A_111 = %parallel_loop3A to %parallel_loop3A_103 step %parallel_loop3A_104  : i32 {
          %parallel_loop3A_112 = arith.constant 0.000000e+00 : bf16
          %parallel_loop3A_113 = vector.broadcast %parallel_loop3A_112 : bf16 to vector<32xbf16>
          %parallel_loop3A_114 = arith.constant 0.000000e+00 : bf16
          %parallel_loop3A_115 = vector.broadcast %parallel_loop3A_114 : bf16 to vector<32xbf16>
          %parallel_loop3A_116 = arith.index_cast %parallel_loop3A_111 : i32 to index
          %parallel_loop3A_117 = arith.constant 0 : index
          %parallel_loop3A_118 = tpu.vector_load %arg17[%parallel_loop3A_116, %parallel_loop3A_117] {strides = array<i32>} : memref<80x64xi32, #tpu.memory_space<vmem>>, vector<16xi32>,
          %parallel_loop3A_119 = vector.bitcast %parallel_loop3A_118 : vector<16xi32> to vector<32xbf16>
          %parallel_loop3A_120 = arith.index_cast %parallel_loop3A_111 : i32 to index
          %parallel_loop3A_121 = arith.constant 0 : index
          %parallel_loop3A_122 = tpu.vector_load %arg18[%parallel_loop3A_120, %parallel_loop3A_121] {strides = array<i32>} : memref<80x64xi32, #tpu.memory_space<vmem>>, vector<16xi32>,
          %parallel_loop3A_123 = vector.bitcast %parallel_loop3A_122 : vector<16xi32> to vector<32xbf16>
          %parallel_loop3A_124 = arith.mulf %parallel_loop3A_119, %parallel_loop3A_123 : vector<32xbf16>
          %parallel_loop3A_125 = arith.addf %parallel_loop3A_113, %parallel_loop3A_124 : vector<32xbf16>
          %parallel_loop3A_126 = arith.index_cast %parallel_loop3A_111 : i32 to index
          %parallel_loop3A_127 = arith.constant 16 : index
          %parallel_loop3A_128 = tpu.vector_load %arg17[%parallel_loop3A_126, %parallel_loop3A_127] {strides = array<i32>} : memref<80x64xi32, #tpu.memory_space<vmem>>, vector<16xi32>,
          %parallel_loop3A_129 = vector.bitcast %parallel_loop3A_128 : vector<16xi32> to vector<32xbf16>
          %parallel_loop3A_130 = arith.index_cast %parallel_loop3A_111 : i32 to index
          %parallel_loop3A_131 = arith.constant 16 : index
          %parallel_loop3A_132 = tpu.vector_load %arg18[%parallel_loop3A_130, %parallel_loop3A_131] {strides = array<i32>} : memref<80x64xi32, #tpu.memory_space<vmem>>, vector<16xi32>,
          %parallel_loop3A_133 = vector.bitcast %parallel_loop3A_132 : vector<16xi32> to vector<32xbf16>
          %parallel_loop3A_134 = arith.mulf %parallel_loop3A_129, %parallel_loop3A_133 : vector<32xbf16>
          %parallel_loop3A_135 = arith.addf %parallel_loop3A_115, %parallel_loop3A_134 : vector<32xbf16>
          %parallel_loop3A_136 = arith.index_cast %parallel_loop3A_111 : i32 to index
          %parallel_loop3A_137 = arith.constant 32 : index
          %parallel_loop3A_138 = tpu.vector_load %arg17[%parallel_loop3A_136, %parallel_loop3A_137] {strides = array<i32>} : memref<80x64xi32, #tpu.memory_space<vmem>>, vector<16xi32>,
          %parallel_loop3A_139 = vector.bitcast %parallel_loop3A_138 : vector<16xi32> to vector<32xbf16>
          %parallel_loop3A_140 = arith.index_cast %parallel_loop3A_111 : i32 to index
          %parallel_loop3A_141 = arith.constant 32 : index
          %parallel_loop3A_142 = tpu.vector_load %arg18[%parallel_loop3A_140, %parallel_loop3A_141] {strides = array<i32>} : memref<80x64xi32, #tpu.memory_space<vmem>>, vector<16xi32>,
          %parallel_loop3A_143 = vector.bitcast %parallel_loop3A_142 : vector<16xi32> to vector<32xbf16>
          %parallel_loop3A_144 = arith.mulf %parallel_loop3A_139, %parallel_loop3A_143 : vector<32xbf16>
          %parallel_loop3A_145 = arith.addf %parallel_loop3A_125, %parallel_loop3A_144 : vector<32xbf16>
          %parallel_loop3A_146 = arith.index_cast %parallel_loop3A_111 : i32 to index
          %parallel_loop3A_147 = arith.constant 48 : index
          %parallel_loop3A_148 = tpu.vector_load %arg17[%parallel_loop3A_146, %parallel_loop3A_147] {strides = array<i32>} : memref<80x64xi32, #tpu.memory_space<vmem>>, vector<16xi32>,
          %parallel_loop3A_149 = vector.bitcast %parallel_loop3A_148 : vector<16xi32> to vector<32xbf16>
          %parallel_loop3A_150 = arith.index_cast %parallel_loop3A_111 : i32 to index
          %parallel_loop3A_151 = arith.constant 48 : index
          %parallel_loop3A_152 = tpu.vector_load %arg18[%parallel_loop3A_150, %parallel_loop3A_151] {strides = array<i32>} : memref<80x64xi32, #tpu.memory_space<vmem>>, vector<16xi32>,
          %parallel_loop3A_153 = vector.bitcast %parallel_loop3A_152 : vector<16xi32> to vector<32xbf16>
          %parallel_loop3A_154 = arith.mulf %parallel_loop3A_149, %parallel_loop3A_153 : vector<32xbf16>
          %parallel_loop3A_155 = arith.addf %parallel_loop3A_135, %parallel_loop3A_154 : vector<32xbf16>
          %parallel_loop3A_156 = arith.addf %parallel_loop3A_145, %parallel_loop3A_155 : vector<32xbf16>
          %parallel_loop3A_157 = tpu.unpack_subelements %parallel_loop3A_156, 0 {pack_format = #tpu.pack_format<interleaved>} : vector<32xbf16> -> vector<16xf32>
          %parallel_loop3A_158 = tpu.unpack_subelements %parallel_loop3A_156, 1 {pack_format = #tpu.pack_format<interleaved>} : vector<32xbf16> -> vector<16xf32>
          %parallel_loop3A_159 = arith.addf %parallel_loop3A_157, %parallel_loop3A_158 : vector<16xf32>
          %parallel_loop3A_160 = arith.constant true
          %parallel_loop3A_161 = vector.broadcast %parallel_loop3A_160 : i1 to vector<16xi1>
          %parallel_loop3A_162 = tpu.scan <sum>, %parallel_loop3A_159 masked %parallel_loop3A_161 : vector<16xf32>, vector<16xi1> -> vector<16xf32>
          %parallel_loop3A_163 = arith.constant 80 : i32
          %parallel_loop3A_164 = arith.muli %scan3A_57, %parallel_loop3A_163 : i32
          %parallel_loop3A_165 = arith.addi %parallel_loop3A_164, %parallel_loop3A_111 : i32
          %parallel_loop3A_166 = arith.index_cast %parallel_loop3A_165 : i32 to index
          %parallel_loop3A_167 = tpu.vector_load %arg8[%parallel_loop3A_166] masked %eq3A_102 {strides = array<i32>} : memref<10016xf32, #tpu.memory_space<vmem>>, vector<16xf32>, vector<16xi1>
          tpu.vector_store %arg8[%parallel_loop3A_166], %parallel_loop3A_162 masked %eq3A_102 {strides = array<i32>} : memref<10016xf32, #tpu.memory_space<vmem>>, vector<16xf32>, vector<16xi1>
        } {sc.loop_unroll_factor = 4 : i64, sc.parallel_access}
        %add3A_105 = arith.constant 5 : i32
        %add3A_106 = arith.addi %scan3A_57, %add3A_105 : i32
        %lt3A = arith.constant 125 : i32
        %lt3A_107 = arith.cmpi slt, %add3A_106, %lt3A : i32
        %convert_element_type3A_108 = arith.extui %lt3A_107 : i1 to i32
        %cond3A_109 = arith.constant 0 : i32
        %cond3A_110 = arith.cmpi ne, %convert_element_type3A_108, %cond3A_109 : i32
        scf.if %cond3A_110 {
          %add3A_111 = arith.constant 5 : i32
          %add3A_112 = arith.addi %scan3A_57, %add3A_111 : i32
          %mul3A_113 = arith.constant 80 : i32
          %mul3A_114 = arith.muli %add3A_112, %mul3A_113 : i32
          %dma_start3A_115 = tpu.memref_slice %arg6[%mul3A_114] : memref<10000xi32, #tpu.memory_space<vmem>> -> memref<80xi32, #tpu.memory_space<vmem>>
          %dma_start3A_116 = arith.constant 0 : i32
          %dma_start3A_117 = arith.constant 0 : i32
          %dma_start3A_118 = tpu.memref_slice %arg2[%dma_start3A_116, %dma_start3A_117] : memref<10000x64xi32, #tpu.memory_space<hbm>> -> memref<10000x64xi32, #tpu.memory_space<hbm>>
          tpu.enqueue_indirect_dma source(%dma_start3A_118 : memref<10000x64xi32, #tpu.memory_space<hbm>>) target(%arg17 : memref<80x64xi32, #tpu.memory_space<vmem>>) offsets(%dma_start3A_115 : memref<80xi32, #tpu.memory_space<vmem>>) semaphore(%arg23 : memref<!tpu.dma_semaphore, #tpu.memory_space<semaphore_mem>>)
          %mul3A_119 = arith.constant 80 : i32
          %mul3A_120 = arith.muli %add3A_112, %mul3A_119 : i32
          %dma_start3A_121 = tpu.memref_slice %arg7[%mul3A_120] : memref<10000xi32, #tpu.memory_space<vmem>> -> memref<80xi32, #tpu.memory_space<vmem>>
          %dma_start3A_122 = arith.constant 0 : i32
          %dma_start3A_123 = arith.constant 0 : i32
          %dma_start3A_124 = tpu.memref_slice %arg2[%dma_start3A_122, %dma_start3A_123] : memref<10000x64xi32, #tpu.memory_space<hbm>> -> memref<10000x64xi32, #tpu.memory_space<hbm>>
          tpu.enqueue_indirect_dma source(%dma_start3A_124 : memref<10000x64xi32, #tpu.memory_space<hbm>>) target(%arg18 : memref<80x64xi32, #tpu.memory_space<vmem>>) offsets(%dma_start3A_121 : memref<80xi32, #tpu.memory_space<vmem>>) semaphore(%arg23 : memref<!tpu.dma_semaphore, #tpu.memory_space<semaphore_mem>>)
        } else {
        }
      } else {
      }
    }
    %scan3A_56 = arith.constant 125 : i32
    "tpu.region"() ({
      %run_scoped3A = tpu.sem_alloc : memref<!tpu.dma_semaphore, #tpu.memory_space<semaphore_mem>>
      %dma_start3A_57 = arith.constant 0 : i32
      %dma_start3A_58 = tpu.memref_slice %arg8[%dma_start3A_57] : memref<10016xf32, #tpu.memory_space<vmem>> -> memref<10000xf32, #tpu.memory_space<vmem>>
      %dma_start3A_59 = tpu.memref_slice %arg5[%mul3A_2] : memref<320000xf32, #tpu.memory_space<hbm>> -> memref<10000xf32, #tpu.memory_space<hbm>>
      %dma_start3A_60 = tpu.memref_slice %arg5[%mul3A_2] : memref<320000xf32, #tpu.memory_space<hbm>> -> memref<10000xf32, #tpu.memory_space<hbm>>
      %dma_start3A_61 = arith.constant 0 : i32
      %dma_start3A_62 = tpu.memref_slice %arg8[%dma_start3A_61] : memref<10016xf32, #tpu.memory_space<vmem>> -> memref<10000xf32, #tpu.memory_space<vmem>>
      tpu.enqueue_dma source(%dma_start3A_62 : memref<10000xf32, #tpu.memory_space<vmem>>) target(%dma_start3A_60 : memref<10000xf32, #tpu.memory_space<hbm>>) target_semaphore(%run_scoped3A : memref<!tpu.dma_semaphore, #tpu.memory_space<semaphore_mem>>)
      %dma_wait3A = arith.constant 0 : i32
      %dma_wait3A_63 = tpu.memref_slice %arg8[%dma_wait3A] : memref<10016xf32, #tpu.memory_space<vmem>> -> memref<10000xf32, #tpu.memory_space<vmem>>
      %dma_wait3A_64 = tpu.memref_slice %arg5[%mul3A_2] : memref<320000xf32, #tpu.memory_space<hbm>> -> memref<10000xf32, #tpu.memory_space<hbm>>
      %dma_wait3A_65 = tpu.memref_slice %arg5[%mul3A_2] : memref<320000xf32, #tpu.memory_space<hbm>> -> memref<10000xf32, #tpu.memory_space<hbm>>
      %dma_wait3A_66 = arith.constant 0 : i32
      %dma_wait3A_67 = tpu.memref_slice %arg8[%dma_wait3A_66] : memref<10016xf32, #tpu.memory_space<vmem>> -> memref<10000xf32, #tpu.memory_space<vmem>>
      tpu.wait_dma2 semaphore(%run_scoped3A : memref<!tpu.dma_semaphore, #tpu.memory_space<semaphore_mem>>) src(%dma_wait3A_67 : memref<10000xf32, #tpu.memory_space<vmem>>) dst(%dma_wait3A_65 : memref<10000xf32, #tpu.memory_space<hbm>>)
      tpu.yield
    }) : () -> ()
    return
  }
}

</mosaic_0001>

<sc_bundles>
// kernel: _dot_scores.3.cloned.1.call-start
scs
__scs_entry_jumppad:
0x0: {  	(pc) =	sbr.rel $0x88, $3  }
0x1: {  	(tag) =	ssettag $0x0;
	lr =	simm.s32 $0x1  }
0x2: {  	[smem:$0x3F9E] =	sst lr;
	_ =	strace $0xD0000000  }
0x3: {  	_ = 	snop  }
0x4: {  	_ = 	snop  }
0x5: {  	_ = 	snop  }
0x6: {  	_ = 	snop  }
0x7: {  	_ = 	snop  }
__scs_overlays_trampoline_lowered:
0x8: {  	[smem:$0x3FAD] =	sst s0  }
0x9: {  	[smem:$0x3FAE] =	sst s1  }
0xa: {  	[smem:$0x3FAF] =	sst s2  }
0xb: {  	[smem:$0x3FB0] =	sst s3  }
0xc: {  	[smem:$0x3FB1] =	sst s4  }
0xd: {  	[smem:$0x3FB2] =	sst s5  }
0xe: {  	[smem:$0x3FB3] =	sst s6  }
0xf: {  	[smem:$0x3FB4] =	sst s7  }
0x10: {  	[smem:$0x3FB5] =	sst s8  }
0x11: {  	[smem:$0x3FB6] =	sst s9;
	s0 =	simm.s32 @!p0 $0x0  }
0x12: {  	s1 =	sld [smem:$0x3F9C];
	s0 =	simm.s32 @p0 $0x1  }
0x13: {  	[smem:$0x3FB7] =	sst s0;
	s0 =	simm.s32 @!p1 $0x0  }
0x14: {  	s2 =	sld [smem:$0x3F9B];
	s0 =	simm.s32 @p1 $0x1  }
0x15: {  	[smem:$0x3FB8] =	sst s0;
	s0 =	simm.s32 @!p2 $0x0  }
0x16: {  	s3 =	sld [smem:$0x3FDB];
	s0 =	simm.s32 @p2 $0x1  }
0x17: {  	s4 =	simm.s32 $0x1BF5;
	[smem:$0x3FBA] =	sst s0  }
0x18: {  	s0 =	sld [smem:$0x3F9D];
	_ =	swait.ge [sflag:s4], $0x0  }
0x19: {  	s7 =	sld [smem:$0x3F9E]  }
0x1a: {  	s8 =	sadd.s32 $0xFFFFE003, lr  }
0x1b: {  	s9 =	sadd.s32 $0xFFFFFEF7, lr;
	s5 =	simm.s32 $0xFFFFFFFF;
	p2 =	slt.u32 s8, $0xFFFFF086  }
0x1c: {  	p1 =	slt.u32 s9, $0xF7A;
	s5 =	simm.s32 @!p2 $0x0  }
0x1d: {  	s5 =	simm.s32 @p1 $0x1;
	p0 =	seq.s32 s7, s2  }
0x1e: {  	s7 =	smul.u32 @!p0 $0xF7A, s2;
	p2 =	seq.s32 @!p0 s5, $0x0  }
0x1f: {  	s9 =	smul.u32 $0xF7A, s1;
	s8 =	simm.s32 @!p0 $0x1BF5;
	p2 =	por !p2, p0  }
0x20: {  	[sflag:s8] =	ssyncset.s32 @!p0 $0xFFFFF086;
	s6 =	sadd.s32 @!p0 s3, s7;
	s7 =	simm.s32 @!p0 $0x108  }
0x21: {  	s3 =	sadd.s32 s3, s9;
	s6 =	sadd.s32 @!p0 $0x88, s6;
	s7 =	simm.s32 @p2 $0x1082  }
0x22: {  	[simem:s7], [sflag:s8] =	dma.local @!p0 [hbm:s6], $0xF7A  }
0x23: {  	s9 =	sor.u32 $0xD0000000, s2;
	s6 =	simm.s32 $0x108;
	_ =	swait.ge @!p0 [sflag:s8], $0x0  }
0x24: {  	s3 =	sadd.s32 $0x88, s3;
	s6 =	simm.s32 @!p1 $0x1082;
	[sflag:s4] =	ssyncset.s32 $0xFFFFF086  }
0x25: {  	[simem:s6], [sflag:s4] =	dma.local [hbm:s3], $0xF7A  }
0x26: {  	[smem:$0x3F9E] =	sst s1;
	(tag) =	ssettag s2;
	_ =	strace s9  }
0x27: {  	s1 =	sld [smem:$0x3FAE]  }
0x28: {  	s2 =	sld [smem:$0x3FAF]  }
0x29: {  	s4 =	sld [smem:$0x3FB1]  }
0x2a: {  	p0 =	seq.s32 s5, $0x0;
	s5 =	sld [smem:$0x3FB2]  }
0x2b: {  	s6 =	sld [smem:$0x3FB3]  }
0x2c: {  	s7 =	sld [smem:$0x3FB4]  }
0x2d: {  	s3 =	simm.s32 $0x108;
	s8 =	sld [smem:$0x3FB5]  }
0x2e: {  	s3 =	simm.s32 @!p0 $0x1082;
	s9 =	sld [smem:$0x3FB6]  }
0x2f: {  	lr =	sadd.s32 s0, s3;
	s0 =	sld [smem:$0x3FAD]  }
0x30: {  	s3 =	sld [smem:$0x3FB0]  }
0x31: {  	[smem:$0x3FB9] =	sst s10  }
0x32: {  	s10 =	sld [smem:$0x3FB7];
	_ =	sdelay $0x3  }
0x33: {  	p0 =	seq.s32 s10, $0x1;
	s10 =	sld [smem:$0x3FB9];
	_ =	sdelay $0x3  }
0x34: {  	[smem:$0x3FB9] =	sst s10  }
0x35: {  	s10 =	sld [smem:$0x3FB8];
	_ =	sdelay $0x3  }
0x36: {  	p1 =	seq.s32 s10, $0x1;
	s10 =	sld [smem:$0x3FB9];
	_ =	sdelay $0x3  }
0x37: {  	[smem:$0x3FB9] =	sst s10  }
0x38: {  	s10 =	sld [smem:$0x3FBA]  }
0x39: {  	_ = 	snop;
	(pc) =	sbr.ind lr, $3  }
0x3a: {  	_ = 	snop  }
0x3b: {  	_ = 	snop  }
0x3c: {  	p2 =	seq.s32 s10, $0x1;
	s10 =	sld [smem:$0x3FB9]  }
0x3d: {  	_ =	shalt  }
0x3e: {  	_ =	shalt  }
0x3f: {  	_ =	shalt  }
0x40: {  	_ =	shalt  }
0x41: {  	_ =	shalt  }
0x42: {  	_ =	shalt  }
0x43: {  	_ =	shalt  }
0x44: {  	_ =	shalt  }
0x45: {  	_ =	shalt  }
0x46: {  	_ =	shalt  }
0x47: {  	_ =	shalt  }
0x48: {  	_ =	shalt  }
0x49: {  	_ =	shalt  }
0x4a: {  	_ =	shalt  }
0x4b: {  	_ =	shalt  }
0x4c: {  	_ =	shalt  }
0x4d: {  	_ =	shalt  }
0x4e: {  	_ =	shalt  }
0x4f: {  	_ =	shalt  }
0x50: {  	_ =	shalt  }
0x51: {  	_ =	shalt  }
0x52: {  	_ =	shalt  }
0x53: {  	_ =	shalt  }
0x54: {  	_ =	shalt  }
0x55: {  	_ =	shalt  }
0x56: {  	_ =	shalt  }
0x57: {  	_ =	shalt  }
0x58: {  	_ =	shalt  }
0x59: {  	_ =	shalt  }
0x5a: {  	_ =	shalt  }
0x5b: {  	_ =	shalt  }
0x5c: {  	_ =	shalt  }
0x5d: {  	_ =	shalt  }
0x5e: {  	_ =	shalt  }
0x5f: {  	_ =	shalt  }
0x60: {  	_ =	shalt  }
0x61: {  	_ =	shalt  }
0x62: {  	_ =	shalt  }
0x63: {  	_ =	shalt  }
0x64: {  	_ =	shalt  }
0x65: {  	_ =	shalt  }
0x66: {  	_ =	shalt  }
0x67: {  	_ =	shalt  }
0x68: {  	_ =	shalt  }
0x69: {  	_ =	shalt  }
0x6a: {  	_ =	shalt  }
0x6b: {  	_ =	shalt  }
0x6c: {  	_ =	shalt  }
0x6d: {  	_ =	shalt  }
0x6e: {  	_ =	shalt  }
0x6f: {  	_ =	shalt  }
0x70: {  	_ =	shalt  }
0x71: {  	_ =	shalt  }
0x72: {  	_ =	shalt  }
0x73: {  	_ =	shalt  }
0x74: {  	_ =	shalt  }
0x75: {  	_ =	shalt  }
0x76: {  	_ =	shalt  }
0x77: {  	_ =	shalt  }
0x78: {  	_ =	shalt  }
0x79: {  	_ =	shalt  }
0x7a: {  	_ =	shalt  }
0x7b: {  	_ =	shalt  }
0x7c: {  	_ =	shalt  }
0x7d: {  	_ =	shalt  }
0x7e: {  	_ =	shalt  }
0x7f: {  	_ =	shalt  }
0x80: {  	_ =	shalt  }
0x81: {  	_ =	shalt  }
0x82: {  	_ =	shalt  }
0x83: {  	_ =	shalt  }
0x84: {  	_ =	shalt  }
0x85: {  	_ =	shalt  }
0x86: {  	_ =	shalt  }
0x87: {  	_ =	shalt  }
.Lfunc_end0:
.L_simem_size_0:
called_computation_lowered:
.L_overlay_start_0:
0x88: {  	s2 =	sld [smem:$0x3FD9]  }
0x89: {  	s3 =	sld [smem:$0x3FFE];
	_ =	sdelay $0x1  }
0x8a: {  	s1 =	srdreg.scid  }
0x8b: {  	s0 =	sand.u32 $0x1, s1  }
0x8c: {  	s17 =	sshll.u32 s0, $0xA;
	s2 =	sadd.s32 s3, s2  }
0x8d: {  	s2 =	sadd.s32 s2, s17  }
0x8e: {  	[smem:$0x3FC5] =	sst s2  }
0x8f: {  	_ = 	snop  }
0x90: {  	s2 =	sld [smem:$0x3FC8]  }
0x91: {  	s18 =	sld [smem:$0x3FC7]  }
0x92: {  	s4 =	sld [smem:$0x3FD0];
	(tm) =	ssettm $0x1  }
0x93: {  	s5 =	sld [smem:$0x3FFB];
	_ =	sdelay $0x3  }
0x94: {  	_ =	strace s5  }
0x95: {  	s5 =	sld [smem:$0x3FFC];
	_ =	sdelay $0x3  }
0x96: {  	_ =	strace s5  }
0x97: {  	s5 =	sld [smem:$0x3FFD];
	_ =	sdelay $0x3  }
0x98: {  	_ =	strace s5  }
0x99: {  	_ =	strace $0x8FFFFFFF  }
0x9a: {  	s19 =	sld [smem:$0x3FDB];
	_ =	sdelay $0x1  }
0x9b: {  	s6 =	simm.s32 $_scs_section_size  }
0x9c: {  	s7 =	simm.s32 $_size__tile_overlayer_lowered;
	s8 =	simm.s32 $_tile_overlayer_lowered  }
0x9d: {  	s22 =	simm.s32 $0x1BFF;
	s21 =	sshll.u32 s8, $0x1;
	s5 =	sadd.s32 s6, s19  }
0x9e: {  	s9 =	simm.s32 $0x0;
	s20 =	sshll.u32 s7, $0x1;
	s7 =	sadd.s32 s21, s5  }
0x9f: {  	[timem:s9], [sflag:s22] =	dma.local [hbm:s7], s20  }
0xa0: {  	_ =	swait.ge [sflag:s22], s20  }
0xa1: {  	s6 =	ssub.s32 $0x0, s20;
	[sflag:s22] =	ssyncset.done $0x0  }
0xa2: {  	[sflag:s22] =	ssyncadd.s32 s6;
	_ =	sdelay $0x1  }
0xa3: {  	s23 =	simm.s32 $0x1B8B  }
0xa4: {  	_ =	swait.ge [sflag:s23], $0x1  }
0xa5: {  	[sflag:s23] =	ssyncset.done $0x0  }
0xa6: {  	s25 =	simm.s32 $0x1B8E;
	s24 =	sld [smem:$0x3FFE];
	[sflag:s23] =	ssyncadd.s32 $0xFFFFFFFF  }
0xa7: {  	s26 =	simm.s32 $execute0_lowered;
	[smem:$0x3FD2] =	sst s25  }
0xa8: {  	s7 =	sshll.u32 s26, $0x1;
	_ =	strace $0x80000046;
	[dreg:$0x1] =	wrdreg $0xFFFFFFFF  }
0xa9: {  	s28 =	simm.s32 $_size_execute0_lowered;
	s5 =	sadd.s32 s5, s7;
	[dreg:$0x0] =	wrdreg $0x0  }
0xaa: {  	s7 =	sshll.u32 s28, $0x1;
	[dreg:$0x2] =	wrdreg s5  }
0xab: {  	[dreg:$0x3] =	wrdreg s7  }
0xac: {  	[dreg:$0x4] =	wrdreg $0xC0  }
0xad: {  	_ =	task [dreg:s9], $0x5FFFF  }
0xae: {  	[dreg:$0x1] =	wrdreg $0xFFFFFFFF  }
0xaf: {  	[dreg:$0x0] =	wrdreg $0x60  }
0xb0: {  	[dreg:$0x2] =	wrdreg s24  }
0xb1: {  	[dreg:$0x3] =	wrdreg s2  }
0xb2: {  	[dreg:$0x4] =	wrdreg s18  }
0xb3: {  	[dreg:$0x5] =	wrdreg s4  }
0xb4: {  	[dreg:$0x6] =	wrdreg $0x9  }
0xb5: {  	_ =	task.clear_ibuf [dreg:s9], $0x7FFFF;
	_ =	strace $0x90000046  }
0xb6: {  	s29 =	simm.s32 $0x9;
	_ =	strace $0x80000048  }
0xb7: {  	_ =	swait.ge [sflag:s29], $0x1  }
0xb8: {  	[sflag:s29] =	ssyncadd.s32 $0xFFFFFFFF  }
0xb9: {  	_ =	strace $0x90000048  }
0xba: {  	_ =	sfence  }
0xbb: {  	s30 =	sld [smem:$0x0];
	_ =	sdelay $0x2  }
0xbc: {  	s31 =	sshll.u32 s1, $0xD;
	s1 =	sshrl.u32 s1, $0x2  }
0xbd: {  	s3 =	sand.u32 $0x4000, s31;
	s1 =	sadd.s32 s1, s30  }
0xbe: {  	s0 =	sor.u32 s3, s0;
	s1 =	sshll.u32 s1, $0x11  }
0xbf: {  	s0 =	sor.u32 s1, s0  }
0xc0: {  	s0 =	sadd.s32 $0x8F2B, s0  }
0xc1: {  	[sflag:s0] =	ssyncadd.remote.s32 $0x1  }
0xc2: {  	_ =	sfence.sel $0xFFFF  }
0xc3: {  	[dreg:$0x0] =	wrdreg $0xFFFFFFFF;
	(pc) =	sbr.abs _section_cstart, $3  }
0xc4: {  	[dreg:$0x1] =	wrdreg $0xFFFFFFFF  }
0xc5: {  	_ =	task.clear_ibuf [dreg:s9], $0x2FFFF;
	_ =	strace $0x9FFFFFFF  }
0xc6: {  	(tm) =	ssettm $0x7FFFFFFF  }
0xc7: {  	_ =	shalt  }
tec
execute0_lowered:
.L_overlay_start_1:
0x0: {  	(tag) =	ssettag $0x1  }
0x1: {  	s0 =	rddreg [dreg:$0x0]  }
0x2: {  	s1 =	rddreg [dreg:$0x1]  }
0x3: {  	s5 =	rddreg [dreg:$0x2];
	s2 =	srdreg.scid  }
0x4: {  	s4 =	stileid.u32;
	s6 =	rddreg [dreg:$0x3];
	s9 =	simm.s32 $0x2710  }
0x5: {  	s10 =	simm.s32 $0x50;
	s28 =	simm.s32 $0x12940;
	s29 =	simm.s32 $0x1  }
0x6: {  	s30 =	simm.s32 $0x2;
	s3 =	sand.u32 $0x1, s2;
	s4 =	sshll.u32 s4, $0x1  }
0x7: {  	s31 =	simm.s32 $0x4E20;
	s11 =	simm.s32 $0x5;
	s4 =	sor.u32 s3, s4  }
0x8: {  	s12 =	simm.s32 $0x0;
	s2 =	simm.s32 $0x0;
	s8 =	smul.u32 $0x4E2, s4  }
.Ltmp0:
0x9: {  	[smem:$0x7FF] =	sst s2;
	s7 =	ssub.s32 $0x2, s3;
	(pc) =	sbr.rel .LBB2_1-.Ltmp0, $4  }
0xa: {  	s3 =	sadd.s32 $0x400, s0;
	s0 =	simm.s32 $0x4;
	s25 =	sshrl.u32 s7, $0x1  }
0xb: {  	_ =	strace $0x80000047;
	s26 =	ssub.s32 s7, s25;
	s4 =	sadd.s32 s1, s8  }
0xc: {  	s5 =	sadd.s32 s5, s8;
	s6 =	sadd.s32 s6, s8;
	s7 =	smax.u32 s26, $0x1  }
0xd: {  	v0 =	vimm.bf16 $0.0e+00;
	vm0 =	vcmask $0x3F3C;
	s8 =	simm.s32 $0x6;
	s26 =	simm.s32 $0x2850;
	s1 =	simm.s32 $0x3  }
.LBB2_22:
0xe: {  	s12 =	sadd.s32 $0x1, s12  }
0xf: {  	p0 =	sne.s32 s12, s7  }
.Ltmp1:
0x10: {  	_ = 	snop;
	(pc) =	sbr.rel @!p0 .LBB2_23-.Ltmp1, $4  }
0x11: {  	[hbm4b:s6+s2] =	stream.linear.scatter [tilespmem:s31], [sflag:$0x6], $0x2710, $0x38;
	[tilespmem:$0x13D40] =	vst v63  }
0x12: {  	_ =	swait.ge [sflag:s8], $0x2710  }
0x13: {  	[sflag:s8] =	ssyncset.done $0x0  }
0x14: {  	[sflag:s8] =	ssyncadd.s32 $0xFFFFD8F0  }
.LBB2_1:
0x15: {  	[tilespmem:s2], [sflag:$0x6] =	stream.linear.gather [hbm4b:s4+s2], $0x2710, $0x38;
	[tilespmem:$0x13D40] =	vst v63  }
0x16: {  	_ =	swait.ge [sflag:s8], $0x2710  }
0x17: {  	[sflag:s8] =	ssyncset.done $0x0  }
0x18: {  	[sflag:s8] =	ssyncadd.s32 $0xFFFFD8F0  }
0x19: {  	[tilespmem:s9], [sflag:$0x6] =	stream.linear.gather [hbm4b:s5+s2], $0x2710, $0x38;
	[tilespmem:$0x13D40] =	vst v63  }
0x1a: {  	_ =	swait.ge [sflag:s8], $0x2710  }
0x1b: {  	[sflag:s8] =	ssyncset.done $0x0  }
0x1c: {  	s13 =	simm.s32 $0x7540;
	[sflag:s8] =	ssyncadd.s32 $0xFFFFD8F0  }
0x1d: {  	[tilespmem:s13], [sflag:$0x1] =	stream.indirect.gather [hbm4b:s3+s10], $0x40, s2, s10, $0xb8;
	[tilespmem:$0x13D40] =	vst v63  }
0x1e: {  	s25 =	simm.s32 $0x8940  }
0x1f: {  	[tilespmem:s25], [sflag:$0x1] =	stream.indirect.gather [hbm4b:s3+s10], $0x40, s9, s10, $0xb8;
	[tilespmem:$0x13D40] =	vst v63  }
0x20: {  	s14 =	simm.s32 $0x9D40  }
0x21: {  	[tilespmem:s14], [sflag:$0x2] =	stream.indirect.gather [hbm4b:s3+s10], $0x40, s10, s10, $0xb8;
	[tilespmem:$0x13D40] =	vst v63  }
0x22: {  	s15 =	simm.s32 $0x2760;
	s14 =	simm.s32 $0xB140  }
0x23: {  	[tilespmem:s14], [sflag:$0x2] =	stream.indirect.gather [hbm4b:s3+s10], $0x40, s15, s10, $0xb8;
	[tilespmem:$0x13D40] =	vst v63  }
0x24: {  	s16 =	simm.s32 $0xA0;
	s17 =	simm.s32 $0xC540  }
0x25: {  	[tilespmem:s17], [sflag:$0x3] =	stream.indirect.gather [hbm4b:s3+s10], $0x40, s16, s10, $0xb8;
	[tilespmem:$0x13D40] =	vst v63  }
0x26: {  	s18 =	simm.s32 $0x27B0;
	s19 =	simm.s32 $0xD940  }
0x27: {  	[tilespmem:s19], [sflag:$0x3] =	stream.indirect.gather [hbm4b:s3+s10], $0x40, s18, s10, $0xb8;
	[tilespmem:$0x13D40] =	vst v63  }
0x28: {  	s20 =	simm.s32 $0xF0;
	s21 =	simm.s32 $0xED40  }
0x29: {  	[tilespmem:s21], [sflag:$0x4] =	stream.indirect.gather [hbm4b:s3+s10], $0x40, s20, s10, $0xb8;
	[tilespmem:$0x13D40] =	vst v63  }
0x2a: {  	s22 =	simm.s32 $0x2800;
	s23 =	simm.s32 $0x10140  }
0x2b: {  	[tilespmem:s23], [sflag:$0x4] =	stream.indirect.gather [hbm4b:s3+s10], $0x40, s22, s10, $0xb8;
	[tilespmem:$0x13D40] =	vst v63  }
.Ltmp2:
0x2c: {  	_ = 	snop;
	(pc) =	sbr.rel .LBB2_2-.Ltmp2, $4  }
0x2d: {  	s24 =	simm.s32 $0x140;
	s25 =	simm.s32 $0x11540  }
0x2e: {  	[tilespmem:s25], [sflag:$0x5] =	stream.indirect.gather [hbm4b:s3+s10], $0x40, s24, s10, $0xb8;
	[tilespmem:$0x13D40] =	vst v63  }
0x2f: {  	s14 =	simm.s32 $0x0;
	s15 =	simm.s32 $0x0;
	s21 =	simm.s32 $0x4E23  }
0x30: {  	[tilespmem:s28], [sflag:$0x5] =	stream.indirect.gather [hbm4b:s3+s10], $0x40, s26, s10, $0xb8;
	[tilespmem:$0x13D40] =	vst v63  }
.LBB2_21:
0x31: {  	s15 =	sadd.s32 $0x1, s15  }
0x32: {  	p0 =	sne.s32 s15, $0x7D  }
.Ltmp3:
0x33: {  	_ = 	snop;
	(pc) =	sbr.rel @!p0 .LBB2_22-.Ltmp3, $2  }
0x34: {  	_ =	sdelay $0x2  }
0x35: {  	s21 =	sadd.s32 $0x50, s21;
	s14 =	sadd.s32 $0x50, s14  }
.LBB2_2:
0x36: {  	s13 =	smul.u32 $0xCD, s15;
	_ =	sdelay $0x1  }
0x37: {  	s13 =	sshrl.u32 s13, $0xA  }
0x38: {  	s13 =	sand.u32 $0x3F, s13  }
0x39: {  	s13 =	smul.u32 $0x5, s13;
	_ =	sdelay $0x1  }
0x3a: {  	s13 =	ssub.s32 s15, s13  }
0x3b: {  	s13 =	sand.u32 $0xFF, s13  }
0x3c: {  	p0 =	sgt.s32 s13, $0x1  }
.Ltmp4:
0x3d: {  	_ = 	snop;
	(pc) =	sbr.rel @!p0 .LBB2_3-.Ltmp4, $1  }
0x3e: {  	_ =	sdelay $0x3  }
0x3f: {  	p0 =	seq.s32 s13, $0x2  }
.Ltmp5:
0x40: {  	_ = 	snop;
	(pc) =	sbr.rel @p0 .LBB2_15-.Ltmp5, $2  }
0x41: {  	_ =	sdelay $0x2  }
0x42: {  	s16 =	smul.u32 $0x50, s15  }
0x43: {  	p0 =	seq.s32 s13, $0x3  }
.Ltmp6:
0x44: {  	_ = 	snop;
	(pc) =	sbr.rel @!p0 .LBB2_18-.Ltmp6, $1  }
0x45: {  	_ =	sdelay $0x3  }
0x46: {  	_ =	swait.ge [sflag:s0], $0x1400  }
0x47: {  	[sflag:s0] =	ssyncset.done $0x0  }
0x48: {  	[sflag:s0] =	ssyncadd.s32 $0xFFFFEC00  }
0x49: {  	_ =	swait.ge [sflag:s0], $0x1400  }
0x4a: {  	[sflag:s0] =	ssyncset.done $0x0  }
0x4b: {  	s13 =	simm.s32 $0xEDC0;
	[sflag:s0] =	ssyncadd.s32 $0xFFFFEC00  }
0x4c: {  	v2 =	vld [tilespmem:s13+$0xFFFFFFD0]  }
0x4d: {  	s17 =	simm.s32 $0x101C0;
	v3 =	vld [tilespmem:s13+$0xFFFFFFE0]  }
0x4e: {  	v1 =	vld [tilespmem:s17+$0x20]  }
0x4f: {  	v4 =	vld [tilespmem:s17+$0xFFFFFFE0]  }
0x50: {  	v5 =	vld [tilespmem:s13+$0x20]  }
0x51: {  	v6 =	vld [tilespmem:s17+$0xFFFFFFF0]  }
0x52: {  	v7 =	vld [tilespmem:s17+$0x30]  }
0x53: {  	v11 =	vld [tilespmem:s13+$0x60]  }
0x54: {  	v8 =	vld [tilespmem:s13+$0xFFFFFFF0]  }
0x55: {  	v10 =	vld [tilespmem:s17+$0x10]  }
0x56: {  	v9 =	vld [tilespmem:s17+$0xFFFFFFB0]  }
0x57: {  	v12 =	vld [tilespmem:s13+$0x10]  }
0x58: {  	v13 =	vld [tilespmem:s17+$0x60]  }
0x59: {  	v14 =	vld [tilespmem:s13+$0xFFFFFFA0]  }
0x5a: {  	v15 =	vld [tilespmem:s13+$0xFFFFFFB0]  }
0x5b: {  	v16 =	vld [tilespmem:s13+$0x40]  }
0x5c: {  	v17 =	vld [tilespmem:s13+$0xFFFFFF80]  }
0x5d: {  	v18 =	vld [tilespmem:s17+$0xFFFFFFA0]  }
0x5e: {  	v19 =	vld [tilespmem:s17+$0x0]  }
0x5f: {  	v20 =	vld [tilespmem:s13+$0xFFFFFF90]  }
0x60: {  	v21 =	vld [tilespmem:s17+$0x40]  }
0x61: {  	v22 =	vld [tilespmem:s13+$0x0]  }
0x62: {  	v23 =	vld [tilespmem:s17+$0xFFFFFF90]  }
0x63: {  	v24 =	vld [tilespmem:s17+$0xFFFFFF80];
	v25 =	vmul.bf16 v1, v5  }
0x64: {  	v1 =	vmul.bf16 v6, v8;
	v6 =	vld [tilespmem:s13+$0x30];
	v4 =	vmul.bf16 v4, v3  }
0x65: {  	v5 =	vmul.bf16 v18, v14;
	v14 =	vld [tilespmem:s17+$0xFFFFFFD0];
	v3 =	vmul.bf16 v9, v15  }
0x66: {  	v15 =	vmul.bf16 v21, v16;
	v8 =	vld [tilespmem:s17+$0xFFFFFFC0];
	v16 =	vmul.bf16 v19, v22  }
0x67: {  	v9 =	vld [tilespmem:s13+$0xFFFFFFC0];
	v12 =	vmul.bf16 v10, v12  }
0x68: {  	v19 =	vmul.bf16 v23, v20;
	v10 =	vld [tilespmem:s17+$0x50];
	v11 =	vmul.bf16 v13, v11;
	v13 =	vadd.bf16 v0, v16  }
0x69: {  	v18 =	vadd.bf16 v0, v15;
	v62 =	vadd.bf16 v0, v12;
	v12 =	vld [tilespmem:s13+$0x50];
	v63 =	vmul.bf16 v7, v6  }
0x6a: {  	s18 =	simm.s32 $0x0;
	s24 =	simm.s32 $0x4;
	v15 =	vmul.bf16 v24, v17;
	v16 =	vadd.bf16 v25, v13;
	v13 =	vld [tilespmem:s13+$0x70];
	v6 =	vadd.bf16 v0, v19  }
0x6b: {  	s20 =	simm.s32 $0xEEC0;
	s19 =	smov.u32 s21;
	s13 =	smov.u32 s21;
	v7 =	vadd.bf16 v11, v18;
	v11 =	vld [tilespmem:s17+$0x70];
	v14 =	vmul.bf16 v14, v2;
	v17 =	vadd.bf16 v63, v62  }
.LBB2_10:
0x6c: {  	s19 =	sadd.s32 $0x4, s19  }
0x6d: {  	v2 =	vld [tilespmem:s20+$0xFFFFFFD0];
	v15 =	vadd.bf16 v0, v15;
	s17 =	sadd.s32 $0x100, s17;
	s23 =	smov.u32 s24;
	s22 =	sadd.s32 $0x4, s24  }
0x6e: {  	p0 =	slt.u32 s24, $0x4C;
	v8 =	vmul.bf16 v8, v9;
	v18 =	vld [tilespmem:s20+$0xFFFFFFE0];
	v9 =	vadd.bf16 v17, v16  }
0x6f: {  	v14 =	vadd.bf16 v0, v14;
	v16 =	vld [tilespmem:s17+$0x20];
	v5 =	vadd.bf16 v5, v15;
	v10 =	vmul.bf16 v10, v12  }
0x70: {  	v8 =	vadd.bf16 v0, v8;
	v12 =	vld [tilespmem:s17+$0xFFFFFFE0];
	v15 =	vunpack.i.u.bf16.f32 v9;
	v9 =	vunpack.i.l.bf16.f32 v9  }
0x71: {  	v17 =	vld [tilespmem:s20+$0x20];
	v9 =	vadd.f32 v9, v15;
	v10 =	vadd.bf16 v0, v10;
	v11 =	vmul.bf16 v11, v13  }
0x72: {  	v1 =	vadd.bf16 v1, v14;
	v4 =	vadd.bf16 v4, v8;
	v13 =	vld [tilespmem:s17+$0xFFFFFFF0]  }
0x73: {  	v14 =	vld [tilespmem:s17+$0x30];
	v8 =	vadd.bf16 v11, v10;
	(xrf2) =	vadd.scan.msk.f32 $0xffff, v9  }
0x74: {  	v1 =	vadd.bf16 v1, v4;
	v11 =	vld [tilespmem:s20+$0x60]  }
0x75: {  	v4 =	vld [tilespmem:s20+$0xFFFFFFF0];
	v7 =	vadd.bf16 v8, v7  }
0x76: {  	v3 =	vadd.bf16 v3, v6;
	v6 =	vunpack.i.u.bf16.f32 v1;
	v1 =	vunpack.i.l.bf16.f32 v1;
	v10 =	vld [tilespmem:s17+$0x10]  }
0x77: {  	v1 =	vadd.f32 v1, v6;
	v8 =	vld [tilespmem:s17+$0xFFFFFFB0];
	v6 =	vunpack.i.u.bf16.f32 v7;
	v7 =	vunpack.i.l.bf16.f32 v7  }
0x78: {  	v3 =	vadd.bf16 v3, v5;
	v16 =	vmul.bf16 v16, v17;
	v15 =	vld [tilespmem:s20+$0x10];
	v5 =	vadd.f32 v7, v6  }
0x79: {  	v6 =	vld [tilespmem:s17+$0x60];
	(xrf2) =	vadd.scan.msk.f32 $0xffff, v1  }
0x7a: {  	s24 =	sadd.s32 s18, s14;
	v7 =	vld [tilespmem:s20+$0xFFFFFFA0];
	v1 =	vmul.bf16 v13, v4;
	v4 =	vunpack.i.u.bf16.f32 v3;
	v3 =	vunpack.i.l.bf16.f32 v3  }
0x7b: {  	s25 =	sadd.s32 $0x2, s18;
	s24 =	sand.u32 $0x7FF8, s24;
	v9 =	vld [tilespmem:s20+$0xFFFFFFB0];
	v3 =	vadd.f32 v3, v4  }
0x7c: {  	s25 =	sand.u32 $0x6, s25;
	s24 =	sadd.s32 $0x4E20, s24;
	v13 =	vld [tilespmem:s20+$0x40];
	(xrf2) =	vadd.scan.msk.f32 $0xffff, v5  }
0x7d: {  	s25 =	sor.u32 s25, s24;
	v17 =	vld [tilespmem:s20+$0xFFFFFF80];
	v4, _, _ =	vpop (xrf2)  }
0x7e: {  	v5 =	vld [tilespmem:s17+$0xFFFFFFA0];
	[tilespmem:s25+$0x0] =	vst.msk vm0, v4  }
0x7f: {  	v19 =	vld [tilespmem:s17+$0x0];
	(xrf2) =	vadd.scan.msk.f32 $0xffff, v3  }
0x80: {  	v20 =	vld [tilespmem:s20+$0xFFFFFF90]  }
0x81: {  	s25 =	sadd.s32 $0x1, s18;
	v21 =	vld [tilespmem:s17+$0x40]  }
0x82: {  	v4 =	vmul.bf16 v12, v18;
	s25 =	sand.u32 $0x5, s25;
	v12 =	vld [tilespmem:s20+$0x0]  }
0x83: {  	s25 =	sor.u32 s25, s24;
	v18 =	vld [tilespmem:s17+$0xFFFFFF90];
	v5 =	vmul.bf16 v5, v7;
	v3, _, _ =	vpop (xrf2)  }
0x84: {  	v7 =	vld [tilespmem:s17+$0xFFFFFF80];
	[tilespmem:s25+$0x0] =	vst.msk vm0, v3  }
0x85: {  	v3 =	vmul.bf16 v8, v9;
	v22 =	vld [tilespmem:s20+$0x30]  }
0x86: {  	v23 =	vld [tilespmem:s17+$0xFFFFFFD0];
	v13 =	vmul.bf16 v21, v13;
	v9, _, _ =	vpop (xrf2)  }
0x87: {  	v8 =	vld [tilespmem:s17+$0xFFFFFFC0];
	v12 =	vmul.bf16 v19, v12;
	[tilespmem:s13+$0x0] =	vst.msk vm0, v9;
	s13 =	smov.u32 s19  }
.Ltmp7:
0x88: {  	s25 =	sand.u32 $0x4, s18;
	s18 =	smov.u32 s23;
	v19 =	vmul.bf16 v10, v15;
	v9 =	vld [tilespmem:s20+$0xFFFFFFC0];
	v13 =	vadd.bf16 v0, v13;
	(pc) =	sbr.rel @p0 .LBB2_10-.Ltmp7, $4  }
0x89: {  	v11 =	vmul.bf16 v6, v11;
	s23 =	sor.u32 s25, s24;
	v18 =	vmul.bf16 v18, v20;
	v20 =	vadd.bf16 v0, v12;
	v10 =	vld [tilespmem:s17+$0x50];
	v6, _, _ =	vpop (xrf2)  }
0x8a: {  	v15 =	vmul.bf16 v7, v17;
	v17 =	vadd.bf16 v0, v19;
	v19 =	vmul.bf16 v14, v22;
	v12 =	vld [tilespmem:s20+$0x50];
	[tilespmem:s23+$0x0] =	vst.msk vm0, v6  }
0x8b: {  	v6 =	vadd.bf16 v0, v18;
	v7 =	vadd.bf16 v11, v13;
	v14 =	vmul.bf16 v23, v2;
	v11 =	vld [tilespmem:s17+$0x70]  }
0x8c: {  	s24 =	smov.u32 s22;
	v16 =	vadd.bf16 v16, v20;
	v17 =	vadd.bf16 v19, v17;
	v13 =	vld [tilespmem:s20+$0x70];
	s20 =	sadd.s32 $0x100, s20  }
0x8d: {  	_ = 	snop  }
0x8e: {  	v2 =	vmul.bf16 v8, v9  }
0x8f: {  	v52 =	vadd.bf16 v0, v15;
	v53 =	vmul.bf16 v10, v12  }
0x90: {  	v54 =	vadd.bf16 v0, v14;
	v2 =	vadd.bf16 v0, v2  }
0x91: {  	v55 =	vadd.bf16 v17, v16;
	v9 =	vadd.bf16 v0, v53;
	v11 =	vmul.bf16 v11, v13  }
0x92: {  	v1 =	vadd.bf16 v1, v54;
	v2 =	vadd.bf16 v4, v2  }
0x93: {  	v56 =	vadd.bf16 v5, v52;
	v57 =	vunpack.i.u.bf16.f32 v55;
	v58 =	vadd.bf16 v11, v9  }
0x94: {  	v59 =	vunpack.i.l.bf16.f32 v55;
	v1 =	vadd.bf16 v1, v2;
	v2 =	vadd.bf16 v3, v6  }
0x95: {  	v3 =	vadd.f32 v59, v57;
	v60 =	vadd.bf16 v58, v7  }
0x96: {  	v61 =	vunpack.i.u.bf16.f32 v1;
	v1 =	vunpack.i.l.bf16.f32 v1;
	v2 =	vadd.bf16 v2, v56  }
0x97: {  	v1 =	vadd.f32 v1, v61;
	v62 =	vunpack.i.u.bf16.f32 v60;
	v5 =	vunpack.i.l.bf16.f32 v60  }
0x98: {  	(xrf2) =	vadd.scan.msk.f32 $0xffff, v3;
	v63 =	vunpack.i.u.bf16.f32 v2;
	v2 =	vunpack.i.l.bf16.f32 v2;
	v3 =	vadd.f32 v5, v62  }
0x99: {  	(xrf2) =	vadd.scan.msk.f32 $0xffff, v1;
	v1 =	vadd.f32 v2, v63  }
0x9a: {  	(xrf2) =	vadd.scan.msk.f32 $0xffff, v3  }
0x9b: {  	(xrf2) =	vadd.scan.msk.f32 $0xffff, v1;
	_ =	sdelay $0x3  }
0x9c: {  	s17 =	sadd.s32 s18, s14  }
0x9d: {  	s19 =	sadd.s32 $0x2, s18;
	s17 =	sand.u32 $0x7FF8, s17  }
0x9e: {  	s20 =	sadd.s32 $0x1, s18;
	s19 =	sand.u32 $0x6, s19;
	s17 =	sadd.s32 $0x4E20, s17  }
0x9f: {  	s20 =	sand.u32 $0x5, s20;
	s19 =	sor.u32 s19, s17;
	v1, _, _ =	vpop (xrf2)  }
0xa0: {  	s23 =	sor.u32 s20, s17;
	[tilespmem:s19+$0x0] =	vst.msk vm0, v1;
	v1, _, _ =	vpop (xrf2)  }
0xa1: {  	s24 =	sand.u32 $0x4, s18;
	[tilespmem:s23+$0x0] =	vst.msk vm0, v1;
	v1, _, _ =	vpop (xrf2)  }
.Ltmp8:
0xa2: {  	p0 =	sgt.u32 s15, $0x77;
	s25 =	sor.u32 s24, s17;
	[tilespmem:s13+$0x0] =	vst.msk vm0, v1;
	v1, _, _ =	vpop (xrf2);
	(pc) =	sbr.rel .LBB2_21-.Ltmp8, $4  }
0xa3: {  	s18 =	simm.s32 @!p0 $0xED40;
	s17 =	simm.s32 @!p0 $0x50;
	s13 =	sadd.s32 @!p0 $0x190, s16;
	[tilespmem:s25+$0x0] =	vst.msk vm0, v1  }
0xa4: {  	[tilespmem:s18], [sflag:$0x4] =	stream.indirect.gather @!p0 [hbm4b:s3+s17], $0x40, s13, s17, $0xb8;
	[tilespmem:$0x13D40] =	vst v63  }
0xa5: {  	s13 =	sadd.s32 @!p0 $0x28A0, s16;
	s16 =	simm.s32 @!p0 $0x10140  }
0xa6: {  	[tilespmem:s16], [sflag:$0x4] =	stream.indirect.gather @!p0 [hbm4b:s3+s17], $0x40, s13, s17, $0xb8;
	[tilespmem:$0x13D40] =	vst v63  }
.LBB2_3:
0xa7: {  	p0 =	seq.s32 s13, $0x0  }
.Ltmp9:
0xa8: {  	_ = 	snop;
	(pc) =	sbr.rel @!p0 .LBB2_12-.Ltmp9, $1  }
0xa9: {  	_ =	sdelay $0x3  }
0xaa: {  	_ =	swait.ge [sflag:s29], $0x1400  }
0xab: {  	[sflag:s29] =	ssyncset.done $0x0  }
0xac: {  	[sflag:s29] =	ssyncadd.s32 $0xFFFFEC00  }
0xad: {  	_ =	swait.ge [sflag:s29], $0x1400  }
0xae: {  	[sflag:s29] =	ssyncset.done $0x0  }
0xaf: {  	s13 =	simm.s32 $0x75C0;
	[sflag:s29] =	ssyncadd.s32 $0xFFFFEC00  }
0xb0: {  	v2 =	vld [tilespmem:s13+$0xFFFFFFD0]  }
0xb1: {  	s17 =	simm.s32 $0x89C0;
	v3 =	vld [tilespmem:s13+$0xFFFFFFE0]  }
0xb2: {  	v1 =	vld [tilespmem:s17+$0x20]  }
0xb3: {  	v4 =	vld [tilespmem:s17+$0xFFFFFFE0]  }
0xb4: {  	v5 =	vld [tilespmem:s13+$0x20]  }
0xb5: {  	v6 =	vld [tilespmem:s17+$0xFFFFFFF0]  }
0xb6: {  	v7 =	vld [tilespmem:s17+$0x30]  }
0xb7: {  	v11 =	vld [tilespmem:s13+$0x60]  }
0xb8: {  	v8 =	vld [tilespmem:s13+$0xFFFFFFF0]  }
0xb9: {  	v10 =	vld [tilespmem:s17+$0x10]  }
0xba: {  	v9 =	vld [tilespmem:s17+$0xFFFFFFB0]  }
0xbb: {  	v12 =	vld [tilespmem:s13+$0x10]  }
0xbc: {  	v13 =	vld [tilespmem:s17+$0x60]  }
0xbd: {  	v14 =	vld [tilespmem:s13+$0xFFFFFFA0]  }
0xbe: {  	v15 =	vld [tilespmem:s13+$0xFFFFFFB0]  }
0xbf: {  	v16 =	vld [tilespmem:s13+$0x40]  }
0xc0: {  	v17 =	vld [tilespmem:s13+$0xFFFFFF80]  }
0xc1: {  	v18 =	vld [tilespmem:s17+$0xFFFFFFA0]  }
0xc2: {  	v19 =	vld [tilespmem:s17+$0x0]  }
0xc3: {  	v20 =	vld [tilespmem:s13+$0xFFFFFF90]  }
0xc4: {  	v21 =	vld [tilespmem:s17+$0x40]  }
0xc5: {  	v22 =	vld [tilespmem:s13+$0x0]  }
0xc6: {  	v23 =	vld [tilespmem:s17+$0xFFFFFF90]  }
0xc7: {  	v24 =	vld [tilespmem:s17+$0xFFFFFF80];
	v25 =	vmul.bf16 v1, v5  }
0xc8: {  	v1 =	vmul.bf16 v6, v8;
	v6 =	vld [tilespmem:s13+$0x30];
	v4 =	vmul.bf16 v4, v3  }
0xc9: {  	v5 =	vmul.bf16 v18, v14;
	v14 =	vld [tilespmem:s17+$0xFFFFFFD0];
	v3 =	vmul.bf16 v9, v15  }
0xca: {  	v15 =	vmul.bf16 v21, v16;
	v8 =	vld [tilespmem:s17+$0xFFFFFFC0];
	v16 =	vmul.bf16 v19, v22  }
0xcb: {  	v9 =	vld [tilespmem:s13+$0xFFFFFFC0];
	v12 =	vmul.bf16 v10, v12  }
0xcc: {  	v19 =	vmul.bf16 v23, v20;
	v10 =	vld [tilespmem:s17+$0x50];
	v11 =	vmul.bf16 v13, v11;
	v13 =	vadd.bf16 v0, v16  }
0xcd: {  	v18 =	vadd.bf16 v0, v15;
	v62 =	vadd.bf16 v0, v12;
	v12 =	vld [tilespmem:s13+$0x50];
	v63 =	vmul.bf16 v7, v6  }
0xce: {  	s16 =	smul.u32 $0x50, s15;
	s18 =	simm.s32 $0x0;
	s22 =	simm.s32 $0x4;
	v15 =	vmul.bf16 v24, v17;
	v16 =	vadd.bf16 v25, v13;
	v13 =	vld [tilespmem:s13+$0x70];
	v6 =	vadd.bf16 v0, v19  }
0xcf: {  	s20 =	simm.s32 $0x76C0;
	s19 =	smov.u32 s21;
	s13 =	smov.u32 s21;
	v7 =	vadd.bf16 v11, v18;
	v11 =	vld [tilespmem:s17+$0x70];
	v14 =	vmul.bf16 v14, v2;
	v17 =	vadd.bf16 v63, v62  }
.LBB2_5:
0xd0: {  	s19 =	sadd.s32 $0x4, s19  }
0xd1: {  	v2 =	vld [tilespmem:s20+$0xFFFFFFD0];
	v15 =	vadd.bf16 v0, v15;
	s17 =	sadd.s32 $0x100, s17;
	s23 =	smov.u32 s22;
	s24 =	sadd.s32 $0x4, s22  }
0xd2: {  	p0 =	slt.u32 s22, $0x4C;
	v8 =	vmul.bf16 v8, v9;
	v18 =	vld [tilespmem:s20+$0xFFFFFFE0];
	v9 =	vadd.bf16 v17, v16  }
0xd3: {  	v14 =	vadd.bf16 v0, v14;
	v16 =	vld [tilespmem:s17+$0x20];
	v5 =	vadd.bf16 v5, v15;
	v10 =	vmul.bf16 v10, v12  }
0xd4: {  	v8 =	vadd.bf16 v0, v8;
	v12 =	vld [tilespmem:s17+$0xFFFFFFE0];
	v15 =	vunpack.i.u.bf16.f32 v9;
	v9 =	vunpack.i.l.bf16.f32 v9  }
0xd5: {  	v17 =	vld [tilespmem:s20+$0x20];
	v9 =	vadd.f32 v9, v15;
	v10 =	vadd.bf16 v0, v10;
	v11 =	vmul.bf16 v11, v13  }
0xd6: {  	v1 =	vadd.bf16 v1, v14;
	v4 =	vadd.bf16 v4, v8;
	v13 =	vld [tilespmem:s17+$0xFFFFFFF0]  }
0xd7: {  	v14 =	vld [tilespmem:s17+$0x30];
	v8 =	vadd.bf16 v11, v10;
	(xrf2) =	vadd.scan.msk.f32 $0xffff, v9  }
0xd8: {  	v1 =	vadd.bf16 v1, v4;
	v11 =	vld [tilespmem:s20+$0x60]  }
0xd9: {  	v4 =	vld [tilespmem:s20+$0xFFFFFFF0];
	v7 =	vadd.bf16 v8, v7  }
0xda: {  	v3 =	vadd.bf16 v3, v6;
	v6 =	vunpack.i.u.bf16.f32 v1;
	v1 =	vunpack.i.l.bf16.f32 v1;
	v10 =	vld [tilespmem:s17+$0x10]  }
0xdb: {  	v1 =	vadd.f32 v1, v6;
	v8 =	vld [tilespmem:s17+$0xFFFFFFB0];
	v6 =	vunpack.i.u.bf16.f32 v7;
	v7 =	vunpack.i.l.bf16.f32 v7  }
0xdc: {  	v3 =	vadd.bf16 v3, v5;
	v16 =	vmul.bf16 v16, v17;
	v15 =	vld [tilespmem:s20+$0x10];
	v5 =	vadd.f32 v7, v6  }
0xdd: {  	v6 =	vld [tilespmem:s17+$0x60];
	(xrf2) =	vadd.scan.msk.f32 $0xffff, v1  }
0xde: {  	s22 =	sadd.s32 s18, s14;
	v7 =	vld [tilespmem:s20+$0xFFFFFFA0];
	v1 =	vmul.bf16 v13, v4;
	v4 =	vunpack.i.u.bf16.f32 v3;
	v3 =	vunpack.i.l.bf16.f32 v3  }
0xdf: {  	s25 =	sadd.s32 $0x2, s18;
	s22 =	sand.u32 $0x7FF8, s22;
	v9 =	vld [tilespmem:s20+$0xFFFFFFB0];
	v3 =	vadd.f32 v3, v4  }
0xe0: {  	s25 =	sand.u32 $0x6, s25;
	s22 =	sadd.s32 $0x4E20, s22;
	v13 =	vld [tilespmem:s20+$0x40];
	(xrf2) =	vadd.scan.msk.f32 $0xffff, v5  }
0xe1: {  	s25 =	sor.u32 s25, s22;
	v17 =	vld [tilespmem:s20+$0xFFFFFF80];
	v4, _, _ =	vpop (xrf2)  }
0xe2: {  	v5 =	vld [tilespmem:s17+$0xFFFFFFA0];
	[tilespmem:s25+$0x0] =	vst.msk vm0, v4  }
0xe3: {  	v19 =	vld [tilespmem:s17+$0x0];
	(xrf2) =	vadd.scan.msk.f32 $0xffff, v3  }
0xe4: {  	v20 =	vld [tilespmem:s20+$0xFFFFFF90]  }
0xe5: {  	s25 =	sadd.s32 $0x1, s18;
	v21 =	vld [tilespmem:s17+$0x40]  }
0xe6: {  	v4 =	vmul.bf16 v12, v18;
	s25 =	sand.u32 $0x5, s25;
	v12 =	vld [tilespmem:s20+$0x0]  }
0xe7: {  	s25 =	sor.u32 s25, s22;
	v18 =	vld [tilespmem:s17+$0xFFFFFF90];
	v5 =	vmul.bf16 v5, v7;
	v3, _, _ =	vpop (xrf2)  }
0xe8: {  	v7 =	vld [tilespmem:s17+$0xFFFFFF80];
	[tilespmem:s25+$0x0] =	vst.msk vm0, v3  }
0xe9: {  	v3 =	vmul.bf16 v8, v9;
	v22 =	vld [tilespmem:s20+$0x30]  }
0xea: {  	v23 =	vld [tilespmem:s17+$0xFFFFFFD0];
	v13 =	vmul.bf16 v21, v13;
	v9, _, _ =	vpop (xrf2)  }
0xeb: {  	v8 =	vld [tilespmem:s17+$0xFFFFFFC0];
	v12 =	vmul.bf16 v19, v12;
	[tilespmem:s13+$0x0] =	vst.msk vm0, v9;
	s13 =	smov.u32 s19  }
.Ltmp10:
0xec: {  	s25 =	sand.u32 $0x4, s18;
	s18 =	smov.u32 s23;
	v19 =	vmul.bf16 v10, v15;
	v9 =	vld [tilespmem:s20+$0xFFFFFFC0];
	v13 =	vadd.bf16 v0, v13;
	(pc) =	sbr.rel @p0 .LBB2_5-.Ltmp10, $4  }
0xed: {  	v11 =	vmul.bf16 v6, v11;
	s22 =	sor.u32 s25, s22;
	v18 =	vmul.bf16 v18, v20;
	v20 =	vadd.bf16 v0, v12;
	v10 =	vld [tilespmem:s17+$0x50];
	v6, _, _ =	vpop (xrf2)  }
0xee: {  	v15 =	vmul.bf16 v7, v17;
	v17 =	vadd.bf16 v0, v19;
	v19 =	vmul.bf16 v14, v22;
	v12 =	vld [tilespmem:s20+$0x50];
	[tilespmem:s22+$0x0] =	vst.msk vm0, v6  }
0xef: {  	v6 =	vadd.bf16 v0, v18;
	v7 =	vadd.bf16 v11, v13;
	v14 =	vmul.bf16 v23, v2;
	v11 =	vld [tilespmem:s17+$0x70]  }
0xf0: {  	s22 =	smov.u32 s24;
	v16 =	vadd.bf16 v16, v20;
	v17 =	vadd.bf16 v19, v17;
	v13 =	vld [tilespmem:s20+$0x70];
	s20 =	sadd.s32 $0x100, s20  }
0xf1: {  	_ = 	snop  }
0xf2: {  	v2 =	vmul.bf16 v8, v9  }
0xf3: {  	v52 =	vadd.bf16 v0, v15;
	v53 =	vmul.bf16 v10, v12  }
0xf4: {  	v54 =	vadd.bf16 v0, v14;
	v2 =	vadd.bf16 v0, v2  }
0xf5: {  	v55 =	vadd.bf16 v17, v16;
	v9 =	vadd.bf16 v0, v53;
	v11 =	vmul.bf16 v11, v13  }
0xf6: {  	v1 =	vadd.bf16 v1, v54;
	v2 =	vadd.bf16 v4, v2  }
0xf7: {  	v56 =	vadd.bf16 v5, v52;
	v57 =	vunpack.i.u.bf16.f32 v55;
	v58 =	vadd.bf16 v11, v9  }
0xf8: {  	v59 =	vunpack.i.l.bf16.f32 v55;
	v1 =	vadd.bf16 v1, v2;
	v2 =	vadd.bf16 v3, v6  }
0xf9: {  	v3 =	vadd.f32 v59, v57;
	v60 =	vadd.bf16 v58, v7  }
0xfa: {  	v61 =	vunpack.i.u.bf16.f32 v1;
	v1 =	vunpack.i.l.bf16.f32 v1;
	v2 =	vadd.bf16 v2, v56  }
0xfb: {  	v1 =	vadd.f32 v1, v61;
	v62 =	vunpack.i.u.bf16.f32 v60;
	v5 =	vunpack.i.l.bf16.f32 v60  }
0xfc: {  	(xrf2) =	vadd.scan.msk.f32 $0xffff, v3;
	v63 =	vunpack.i.u.bf16.f32 v2;
	v2 =	vunpack.i.l.bf16.f32 v2;
	v3 =	vadd.f32 v5, v62  }
0xfd: {  	(xrf2) =	vadd.scan.msk.f32 $0xffff, v1;
	v1 =	vadd.f32 v2, v63  }
0xfe: {  	(xrf2) =	vadd.scan.msk.f32 $0xffff, v3  }
0xff: {  	(xrf2) =	vadd.scan.msk.f32 $0xffff, v1;
	_ =	sdelay $0x3  }
0x100: {  	s17 =	sadd.s32 s18, s14  }
0x101: {  	s19 =	sadd.s32 $0x2, s18;
	s17 =	sand.u32 $0x7FF8, s17  }
0x102: {  	s20 =	sadd.s32 $0x1, s18;
	s19 =	sand.u32 $0x6, s19;
	s17 =	sadd.s32 $0x4E20, s17  }
0x103: {  	s20 =	sand.u32 $0x5, s20;
	s19 =	sor.u32 s19, s17;
	v1, _, _ =	vpop (xrf2)  }
0x104: {  	s23 =	sor.u32 s20, s17;
	[tilespmem:s19+$0x0] =	vst.msk vm0, v1;
	v1, _, _ =	vpop (xrf2)  }
0x105: {  	s24 =	sand.u32 $0x4, s18;
	[tilespmem:s23+$0x0] =	vst.msk vm0, v1;
	v1, _, _ =	vpop (xrf2)  }
.Ltmp11:
0x106: {  	p0 =	sgt.u32 s15, $0x77;
	s25 =	sor.u32 s24, s17;
	[tilespmem:s13+$0x0] =	vst.msk vm0, v1;
	v1, _, _ =	vpop (xrf2);
	(pc) =	sbr.rel .LBB2_21-.Ltmp11, $4  }
0x107: {  	s18 =	simm.s32 @!p0 $0x7540;
	s17 =	simm.s32 @!p0 $0x50;
	s13 =	sadd.s32 @!p0 $0x190, s16;
	[tilespmem:s25+$0x0] =	vst.msk vm0, v1  }
0x108: {  	[tilespmem:s18], [sflag:$0x1] =	stream.indirect.gather @!p0 [hbm4b:s3+s17], $0x40, s13, s17, $0xb8;
	[tilespmem:$0x13D40] =	vst v63  }
0x109: {  	s13 =	sadd.s32 @!p0 $0x28A0, s16;
	s16 =	simm.s32 @!p0 $0x8940  }
0x10a: {  	[tilespmem:s16], [sflag:$0x1] =	stream.indirect.gather @!p0 [hbm4b:s3+s17], $0x40, s13, s17, $0xb8;
	[tilespmem:$0x13D40] =	vst v63  }
.LBB2_15:
0x10b: {  	_ =	swait.ge [sflag:s1], $0x1400  }
0x10c: {  	[sflag:s1] =	ssyncset.done $0x0  }
0x10d: {  	[sflag:s1] =	ssyncadd.s32 $0xFFFFEC00  }
0x10e: {  	_ =	swait.ge [sflag:s1], $0x1400  }
0x10f: {  	[sflag:s1] =	ssyncset.done $0x0  }
0x110: {  	s13 =	simm.s32 $0xC5C0;
	[sflag:s1] =	ssyncadd.s32 $0xFFFFEC00  }
0x111: {  	v2 =	vld [tilespmem:s13+$0xFFFFFFD0]  }
0x112: {  	s17 =	simm.s32 $0xD9C0;
	v3 =	vld [tilespmem:s13+$0xFFFFFFE0]  }
0x113: {  	v1 =	vld [tilespmem:s17+$0x20]  }
0x114: {  	v4 =	vld [tilespmem:s17+$0xFFFFFFE0]  }
0x115: {  	v5 =	vld [tilespmem:s13+$0x20]  }
0x116: {  	v6 =	vld [tilespmem:s17+$0xFFFFFFF0]  }
0x117: {  	v7 =	vld [tilespmem:s17+$0x30]  }
0x118: {  	v11 =	vld [tilespmem:s13+$0x60]  }
0x119: {  	v8 =	vld [tilespmem:s13+$0xFFFFFFF0]  }
0x11a: {  	v10 =	vld [tilespmem:s17+$0x10]  }
0x11b: {  	v9 =	vld [tilespmem:s17+$0xFFFFFFB0]  }
0x11c: {  	v12 =	vld [tilespmem:s13+$0x10]  }
0x11d: {  	v13 =	vld [tilespmem:s17+$0x60]  }
0x11e: {  	v14 =	vld [tilespmem:s13+$0xFFFFFFA0]  }
0x11f: {  	v15 =	vld [tilespmem:s13+$0xFFFFFFB0]  }
0x120: {  	v16 =	vld [tilespmem:s13+$0x40]  }
0x121: {  	v17 =	vld [tilespmem:s13+$0xFFFFFF80]  }
0x122: {  	v18 =	vld [tilespmem:s17+$0xFFFFFFA0]  }
0x123: {  	v19 =	vld [tilespmem:s17+$0x0]  }
0x124: {  	v20 =	vld [tilespmem:s13+$0xFFFFFF90]  }
0x125: {  	v21 =	vld [tilespmem:s17+$0x40]  }
0x126: {  	v22 =	vld [tilespmem:s13+$0x0]  }
0x127: {  	v23 =	vld [tilespmem:s17+$0xFFFFFF90]  }
0x128: {  	v24 =	vld [tilespmem:s17+$0xFFFFFF80];
	v25 =	vmul.bf16 v1, v5  }
0x129: {  	v1 =	vmul.bf16 v6, v8;
	v6 =	vld [tilespmem:s13+$0x30];
	v4 =	vmul.bf16 v4, v3  }
0x12a: {  	v5 =	vmul.bf16 v18, v14;
	v14 =	vld [tilespmem:s17+$0xFFFFFFD0];
	v3 =	vmul.bf16 v9, v15  }
0x12b: {  	v15 =	vmul.bf16 v21, v16;
	v8 =	vld [tilespmem:s17+$0xFFFFFFC0];
	v16 =	vmul.bf16 v19, v22  }
0x12c: {  	v9 =	vld [tilespmem:s13+$0xFFFFFFC0];
	v12 =	vmul.bf16 v10, v12  }
0x12d: {  	v19 =	vmul.bf16 v23, v20;
	v10 =	vld [tilespmem:s17+$0x50];
	v11 =	vmul.bf16 v13, v11;
	v13 =	vadd.bf16 v0, v16  }
0x12e: {  	v18 =	vadd.bf16 v0, v15;
	v62 =	vadd.bf16 v0, v12;
	v12 =	vld [tilespmem:s13+$0x50];
	v63 =	vmul.bf16 v7, v6  }
0x12f: {  	s18 =	simm.s32 $0x0;
	s24 =	simm.s32 $0x4;
	v15 =	vmul.bf16 v24, v17;
	v16 =	vadd.bf16 v25, v13;
	v13 =	vld [tilespmem:s13+$0x70];
	v6 =	vadd.bf16 v0, v19  }
0x130: {  	s20 =	simm.s32 $0xC6C0;
	s19 =	smov.u32 s21;
	s13 =	smov.u32 s21;
	v7 =	vadd.bf16 v11, v18;
	v11 =	vld [tilespmem:s17+$0x70];
	v14 =	vmul.bf16 v14, v2;
	v17 =	vadd.bf16 v63, v62  }
.LBB2_16:
0x131: {  	s19 =	sadd.s32 $0x4, s19  }
0x132: {  	v2 =	vld [tilespmem:s20+$0xFFFFFFD0];
	v15 =	vadd.bf16 v0, v15;
	s17 =	sadd.s32 $0x100, s17;
	s23 =	smov.u32 s24;
	s22 =	sadd.s32 $0x4, s24  }
0x133: {  	p0 =	slt.u32 s24, $0x4C;
	v8 =	vmul.bf16 v8, v9;
	v18 =	vld [tilespmem:s20+$0xFFFFFFE0];
	v9 =	vadd.bf16 v17, v16  }
0x134: {  	v14 =	vadd.bf16 v0, v14;
	v16 =	vld [tilespmem:s17+$0x20];
	v5 =	vadd.bf16 v5, v15;
	v10 =	vmul.bf16 v10, v12  }
0x135: {  	v8 =	vadd.bf16 v0, v8;
	v12 =	vld [tilespmem:s17+$0xFFFFFFE0];
	v15 =	vunpack.i.u.bf16.f32 v9;
	v9 =	vunpack.i.l.bf16.f32 v9  }
0x136: {  	v17 =	vld [tilespmem:s20+$0x20];
	v9 =	vadd.f32 v9, v15;
	v10 =	vadd.bf16 v0, v10;
	v11 =	vmul.bf16 v11, v13  }
0x137: {  	v1 =	vadd.bf16 v1, v14;
	v4 =	vadd.bf16 v4, v8;
	v13 =	vld [tilespmem:s17+$0xFFFFFFF0]  }
0x138: {  	v14 =	vld [tilespmem:s17+$0x30];
	v8 =	vadd.bf16 v11, v10;
	(xrf2) =	vadd.scan.msk.f32 $0xffff, v9  }
0x139: {  	v1 =	vadd.bf16 v1, v4;
	v11 =	vld [tilespmem:s20+$0x60]  }
0x13a: {  	v4 =	vld [tilespmem:s20+$0xFFFFFFF0];
	v7 =	vadd.bf16 v8, v7  }
0x13b: {  	v3 =	vadd.bf16 v3, v6;
	v6 =	vunpack.i.u.bf16.f32 v1;
	v1 =	vunpack.i.l.bf16.f32 v1;
	v10 =	vld [tilespmem:s17+$0x10]  }
0x13c: {  	v1 =	vadd.f32 v1, v6;
	v8 =	vld [tilespmem:s17+$0xFFFFFFB0];
	v6 =	vunpack.i.u.bf16.f32 v7;
	v7 =	vunpack.i.l.bf16.f32 v7  }
0x13d: {  	v3 =	vadd.bf16 v3, v5;
	v16 =	vmul.bf16 v16, v17;
	v15 =	vld [tilespmem:s20+$0x10];
	v5 =	vadd.f32 v7, v6  }
0x13e: {  	v6 =	vld [tilespmem:s17+$0x60];
	(xrf2) =	vadd.scan.msk.f32 $0xffff, v1  }
0x13f: {  	s24 =	sadd.s32 s18, s14;
	v7 =	vld [tilespmem:s20+$0xFFFFFFA0];
	v1 =	vmul.bf16 v13, v4;
	v4 =	vunpack.i.u.bf16.f32 v3;
	v3 =	vunpack.i.l.bf16.f32 v3  }
0x140: {  	s25 =	sadd.s32 $0x2, s18;
	s24 =	sand.u32 $0x7FF8, s24;
	v9 =	vld [tilespmem:s20+$0xFFFFFFB0];
	v3 =	vadd.f32 v3, v4  }
0x141: {  	s25 =	sand.u32 $0x6, s25;
	s24 =	sadd.s32 $0x4E20, s24;
	v13 =	vld [tilespmem:s20+$0x40];
	(xrf2) =	vadd.scan.msk.f32 $0xffff, v5  }
0x142: {  	s25 =	sor.u32 s25, s24;
	v17 =	vld [tilespmem:s20+$0xFFFFFF80];
	v4, _, _ =	vpop (xrf2)  }
0x143: {  	v5 =	vld [tilespmem:s17+$0xFFFFFFA0];
	[tilespmem:s25+$0x0] =	vst.msk vm0, v4  }
0x144: {  	v19 =	vld [tilespmem:s17+$0x0];
	(xrf2) =	vadd.scan.msk.f32 $0xffff, v3  }
0x145: {  	v20 =	vld [tilespmem:s20+$0xFFFFFF90]  }
0x146: {  	s25 =	sadd.s32 $0x1, s18;
	v21 =	vld [tilespmem:s17+$0x40]  }
0x147: {  	v4 =	vmul.bf16 v12, v18;
	s25 =	sand.u32 $0x5, s25;
	v12 =	vld [tilespmem:s20+$0x0]  }
0x148: {  	s25 =	sor.u32 s25, s24;
	v18 =	vld [tilespmem:s17+$0xFFFFFF90];
	v5 =	vmul.bf16 v5, v7;
	v3, _, _ =	vpop (xrf2)  }
0x149: {  	v7 =	vld [tilespmem:s17+$0xFFFFFF80];
	[tilespmem:s25+$0x0] =	vst.msk vm0, v3  }
0x14a: {  	v3 =	vmul.bf16 v8, v9;
	v22 =	vld [tilespmem:s20+$0x30]  }
0x14b: {  	v23 =	vld [tilespmem:s17+$0xFFFFFFD0];
	v13 =	vmul.bf16 v21, v13;
	v9, _, _ =	vpop (xrf2)  }
0x14c: {  	v8 =	vld [tilespmem:s17+$0xFFFFFFC0];
	v12 =	vmul.bf16 v19, v12;
	[tilespmem:s13+$0x0] =	vst.msk vm0, v9;
	s13 =	smov.u32 s19  }
.Ltmp12:
0x14d: {  	s25 =	sand.u32 $0x4, s18;
	s18 =	smov.u32 s23;
	v19 =	vmul.bf16 v10, v15;
	v9 =	vld [tilespmem:s20+$0xFFFFFFC0];
	v13 =	vadd.bf16 v0, v13;
	(pc) =	sbr.rel @p0 .LBB2_16-.Ltmp12, $4  }
0x14e: {  	v11 =	vmul.bf16 v6, v11;
	s23 =	sor.u32 s25, s24;
	v18 =	vmul.bf16 v18, v20;
	v20 =	vadd.bf16 v0, v12;
	v10 =	vld [tilespmem:s17+$0x50];
	v6, _, _ =	vpop (xrf2)  }
0x14f: {  	v15 =	vmul.bf16 v7, v17;
	v17 =	vadd.bf16 v0, v19;
	v19 =	vmul.bf16 v14, v22;
	v12 =	vld [tilespmem:s20+$0x50];
	[tilespmem:s23+$0x0] =	vst.msk vm0, v6  }
0x150: {  	v6 =	vadd.bf16 v0, v18;
	v7 =	vadd.bf16 v11, v13;
	v14 =	vmul.bf16 v23, v2;
	v11 =	vld [tilespmem:s17+$0x70]  }
0x151: {  	s24 =	smov.u32 s22;
	v16 =	vadd.bf16 v16, v20;
	v17 =	vadd.bf16 v19, v17;
	v13 =	vld [tilespmem:s20+$0x70];
	s20 =	sadd.s32 $0x100, s20  }
0x152: {  	_ = 	snop  }
0x153: {  	v2 =	vmul.bf16 v8, v9  }
0x154: {  	v52 =	vadd.bf16 v0, v15;
	v53 =	vmul.bf16 v10, v12  }
0x155: {  	v54 =	vadd.bf16 v0, v14;
	v2 =	vadd.bf16 v0, v2  }
0x156: {  	v55 =	vadd.bf16 v17, v16;
	v9 =	vadd.bf16 v0, v53;
	v11 =	vmul.bf16 v11, v13  }
0x157: {  	v1 =	vadd.bf16 v1, v54;
	v2 =	vadd.bf16 v4, v2  }
0x158: {  	v56 =	vadd.bf16 v5, v52;
	v57 =	vunpack.i.u.bf16.f32 v55;
	v58 =	vadd.bf16 v11, v9  }
0x159: {  	v59 =	vunpack.i.l.bf16.f32 v55;
	v1 =	vadd.bf16 v1, v2;
	v2 =	vadd.bf16 v3, v6  }
0x15a: {  	v3 =	vadd.f32 v59, v57;
	v60 =	vadd.bf16 v58, v7  }
0x15b: {  	v61 =	vunpack.i.u.bf16.f32 v1;
	v1 =	vunpack.i.l.bf16.f32 v1;
	v2 =	vadd.bf16 v2, v56  }
0x15c: {  	v1 =	vadd.f32 v1, v61;
	v62 =	vunpack.i.u.bf16.f32 v60;
	v5 =	vunpack.i.l.bf16.f32 v60  }
0x15d: {  	(xrf2) =	vadd.scan.msk.f32 $0xffff, v3;
	v63 =	vunpack.i.u.bf16.f32 v2;
	v2 =	vunpack.i.l.bf16.f32 v2;
	v3 =	vadd.f32 v5, v62  }
0x15e: {  	(xrf2) =	vadd.scan.msk.f32 $0xffff, v1;
	v1 =	vadd.f32 v2, v63  }
0x15f: {  	(xrf2) =	vadd.scan.msk.f32 $0xffff, v3  }
0x160: {  	(xrf2) =	vadd.scan.msk.f32 $0xffff, v1;
	_ =	sdelay $0x3  }
0x161: {  	s17 =	sadd.s32 s18, s14  }
0x162: {  	s19 =	sadd.s32 $0x2, s18;
	s17 =	sand.u32 $0x7FF8, s17  }
0x163: {  	s20 =	sadd.s32 $0x1, s18;
	s19 =	sand.u32 $0x6, s19;
	s17 =	sadd.s32 $0x4E20, s17  }
0x164: {  	s20 =	sand.u32 $0x5, s20;
	s19 =	sor.u32 s19, s17;
	v1, _, _ =	vpop (xrf2)  }
0x165: {  	s23 =	sor.u32 s20, s17;
	[tilespmem:s19+$0x0] =	vst.msk vm0, v1;
	v1, _, _ =	vpop (xrf2)  }
0x166: {  	s24 =	sand.u32 $0x4, s18;
	[tilespmem:s23+$0x0] =	vst.msk vm0, v1;
	v1, _, _ =	vpop (xrf2)  }
.Ltmp13:
0x167: {  	p0 =	sgt.u32 s15, $0x77;
	s25 =	sor.u32 s24, s17;
	[tilespmem:s13+$0x0] =	vst.msk vm0, v1;
	v1, _, _ =	vpop (xrf2);
	(pc) =	sbr.rel .LBB2_21-.Ltmp13, $4  }
0x168: {  	s18 =	simm.s32 @!p0 $0xC540;
	s17 =	simm.s32 @!p0 $0x50;
	s13 =	sadd.s32 @!p0 $0x190, s16;
	[tilespmem:s25+$0x0] =	vst.msk vm0, v1  }
0x169: {  	[tilespmem:s18], [sflag:$0x3] =	stream.indirect.gather @!p0 [hbm4b:s3+s17], $0x40, s13, s17, $0xb8;
	[tilespmem:$0x13D40] =	vst v63  }
0x16a: {  	s13 =	sadd.s32 @!p0 $0x28A0, s16;
	s16 =	simm.s32 @!p0 $0xD940  }
0x16b: {  	[tilespmem:s16], [sflag:$0x3] =	stream.indirect.gather @!p0 [hbm4b:s3+s17], $0x40, s13, s17, $0xb8;
	[tilespmem:$0x13D40] =	vst v63  }
.LBB2_18:
0x16c: {  	_ =	swait.ge [sflag:s11], $0x1400  }
0x16d: {  	[sflag:s11] =	ssyncset.done $0x0  }
0x16e: {  	[sflag:s11] =	ssyncadd.s32 $0xFFFFEC00  }
0x16f: {  	_ =	swait.ge [sflag:s11], $0x1400  }
0x170: {  	[sflag:s11] =	ssyncset.done $0x0  }
0x171: {  	s13 =	simm.s32 $0x115C0;
	[sflag:s11] =	ssyncadd.s32 $0xFFFFEC00  }
0x172: {  	v2 =	vld [tilespmem:s13+$0xFFFFFFD0]  }
0x173: {  	s17 =	simm.s32 $0x129C0;
	v3 =	vld [tilespmem:s13+$0xFFFFFFE0]  }
0x174: {  	v1 =	vld [tilespmem:s17+$0x20]  }
0x175: {  	v4 =	vld [tilespmem:s17+$0xFFFFFFE0]  }
0x176: {  	v5 =	vld [tilespmem:s13+$0x20]  }
0x177: {  	v6 =	vld [tilespmem:s17+$0xFFFFFFF0]  }
0x178: {  	v7 =	vld [tilespmem:s17+$0x30]  }
0x179: {  	v11 =	vld [tilespmem:s13+$0x60]  }
0x17a: {  	v8 =	vld [tilespmem:s13+$0xFFFFFFF0]  }
0x17b: {  	v10 =	vld [tilespmem:s17+$0x10]  }
0x17c: {  	v9 =	vld [tilespmem:s17+$0xFFFFFFB0]  }
0x17d: {  	v12 =	vld [tilespmem:s13+$0x10]  }
0x17e: {  	v13 =	vld [tilespmem:s17+$0x60]  }
0x17f: {  	v14 =	vld [tilespmem:s13+$0xFFFFFFA0]  }
0x180: {  	v15 =	vld [tilespmem:s13+$0xFFFFFFB0]  }
0x181: {  	v16 =	vld [tilespmem:s13+$0x40]  }
0x182: {  	v17 =	vld [tilespmem:s13+$0xFFFFFF80]  }
0x183: {  	v18 =	vld [tilespmem:s17+$0xFFFFFFA0]  }
0x184: {  	v19 =	vld [tilespmem:s17+$0x0]  }
0x185: {  	v20 =	vld [tilespmem:s13+$0xFFFFFF90]  }
0x186: {  	v21 =	vld [tilespmem:s17+$0x40]  }
0x187: {  	v22 =	vld [tilespmem:s13+$0x0]  }
0x188: {  	v23 =	vld [tilespmem:s17+$0xFFFFFF90]  }
0x189: {  	v24 =	vld [tilespmem:s17+$0xFFFFFF80];
	v25 =	vmul.bf16 v1, v5  }
0x18a: {  	v1 =	vmul.bf16 v6, v8;
	v6 =	vld [tilespmem:s13+$0x30];
	v4 =	vmul.bf16 v4, v3  }
0x18b: {  	v5 =	vmul.bf16 v18, v14;
	v14 =	vld [tilespmem:s17+$0xFFFFFFD0];
	v3 =	vmul.bf16 v9, v15  }
0x18c: {  	v15 =	vmul.bf16 v21, v16;
	v8 =	vld [tilespmem:s17+$0xFFFFFFC0];
	v16 =	vmul.bf16 v19, v22  }
0x18d: {  	v9 =	vld [tilespmem:s13+$0xFFFFFFC0];
	v12 =	vmul.bf16 v10, v12  }
0x18e: {  	v19 =	vmul.bf16 v23, v20;
	v10 =	vld [tilespmem:s17+$0x50];
	v11 =	vmul.bf16 v13, v11;
	v13 =	vadd.bf16 v0, v16  }
0x18f: {  	v18 =	vadd.bf16 v0, v15;
	v62 =	vadd.bf16 v0, v12;
	v12 =	vld [tilespmem:s13+$0x50];
	v63 =	vmul.bf16 v7, v6  }
0x190: {  	s18 =	simm.s32 $0x0;
	s24 =	simm.s32 $0x4;
	v15 =	vmul.bf16 v24, v17;
	v16 =	vadd.bf16 v25, v13;
	v13 =	vld [tilespmem:s13+$0x70];
	v6 =	vadd.bf16 v0, v19  }
0x191: {  	s20 =	simm.s32 $0x116C0;
	s19 =	smov.u32 s21;
	s13 =	smov.u32 s21;
	v7 =	vadd.bf16 v11, v18;
	v11 =	vld [tilespmem:s17+$0x70];
	v14 =	vmul.bf16 v14, v2;
	v17 =	vadd.bf16 v63, v62  }
.LBB2_19:
0x192: {  	s19 =	sadd.s32 $0x4, s19  }
0x193: {  	v2 =	vld [tilespmem:s20+$0xFFFFFFD0];
	v15 =	vadd.bf16 v0, v15;
	s17 =	sadd.s32 $0x100, s17;
	s23 =	smov.u32 s24;
	s22 =	sadd.s32 $0x4, s24  }
0x194: {  	p0 =	slt.u32 s24, $0x4C;
	v8 =	vmul.bf16 v8, v9;
	v18 =	vld [tilespmem:s20+$0xFFFFFFE0];
	v9 =	vadd.bf16 v17, v16  }
0x195: {  	v14 =	vadd.bf16 v0, v14;
	v16 =	vld [tilespmem:s17+$0x20];
	v5 =	vadd.bf16 v5, v15;
	v10 =	vmul.bf16 v10, v12  }
0x196: {  	v8 =	vadd.bf16 v0, v8;
	v12 =	vld [tilespmem:s17+$0xFFFFFFE0];
	v15 =	vunpack.i.u.bf16.f32 v9;
	v9 =	vunpack.i.l.bf16.f32 v9  }
0x197: {  	v17 =	vld [tilespmem:s20+$0x20];
	v9 =	vadd.f32 v9, v15;
	v10 =	vadd.bf16 v0, v10;
	v11 =	vmul.bf16 v11, v13  }
0x198: {  	v1 =	vadd.bf16 v1, v14;
	v4 =	vadd.bf16 v4, v8;
	v13 =	vld [tilespmem:s17+$0xFFFFFFF0]  }
0x199: {  	v14 =	vld [tilespmem:s17+$0x30];
	v8 =	vadd.bf16 v11, v10;
	(xrf2) =	vadd.scan.msk.f32 $0xffff, v9  }
0x19a: {  	v1 =	vadd.bf16 v1, v4;
	v11 =	vld [tilespmem:s20+$0x60]  }
0x19b: {  	v4 =	vld [tilespmem:s20+$0xFFFFFFF0];
	v7 =	vadd.bf16 v8, v7  }
0x19c: {  	v3 =	vadd.bf16 v3, v6;
	v6 =	vunpack.i.u.bf16.f32 v1;
	v1 =	vunpack.i.l.bf16.f32 v1;
	v10 =	vld [tilespmem:s17+$0x10]  }
0x19d: {  	v1 =	vadd.f32 v1, v6;
	v8 =	vld [tilespmem:s17+$0xFFFFFFB0];
	v6 =	vunpack.i.u.bf16.f32 v7;
	v7 =	vunpack.i.l.bf16.f32 v7  }
0x19e: {  	v3 =	vadd.bf16 v3, v5;
	v16 =	vmul.bf16 v16, v17;
	v15 =	vld [tilespmem:s20+$0x10];
	v5 =	vadd.f32 v7, v6  }
0x19f: {  	v6 =	vld [tilespmem:s17+$0x60];
	(xrf2) =	vadd.scan.msk.f32 $0xffff, v1  }
0x1a0: {  	s24 =	sadd.s32 s18, s14;
	v7 =	vld [tilespmem:s20+$0xFFFFFFA0];
	v1 =	vmul.bf16 v13, v4;
	v4 =	vunpack.i.u.bf16.f32 v3;
	v3 =	vunpack.i.l.bf16.f32 v3  }
0x1a1: {  	s25 =	sadd.s32 $0x2, s18;
	s24 =	sand.u32 $0x7FF8, s24;
	v9 =	vld [tilespmem:s20+$0xFFFFFFB0];
	v3 =	vadd.f32 v3, v4  }
0x1a2: {  	s25 =	sand.u32 $0x6, s25;
	s24 =	sadd.s32 $0x4E20, s24;
	v13 =	vld [tilespmem:s20+$0x40];
	(xrf2) =	vadd.scan.msk.f32 $0xffff, v5  }
0x1a3: {  	s25 =	sor.u32 s25, s24;
	v17 =	vld [tilespmem:s20+$0xFFFFFF80];
	v4, _, _ =	vpop (xrf2)  }
0x1a4: {  	v5 =	vld [tilespmem:s17+$0xFFFFFFA0];
	[tilespmem:s25+$0x0] =	vst.msk vm0, v4  }
0x1a5: {  	v19 =	vld [tilespmem:s17+$0x0];
	(xrf2) =	vadd.scan.msk.f32 $0xffff, v3  }
0x1a6: {  	v20 =	vld [tilespmem:s20+$0xFFFFFF90]  }
0x1a7: {  	s25 =	sadd.s32 $0x1, s18;
	v21 =	vld [tilespmem:s17+$0x40]  }
0x1a8: {  	v4 =	vmul.bf16 v12, v18;
	s25 =	sand.u32 $0x5, s25;
	v12 =	vld [tilespmem:s20+$0x0]  }
0x1a9: {  	s25 =	sor.u32 s25, s24;
	v18 =	vld [tilespmem:s17+$0xFFFFFF90];
	v5 =	vmul.bf16 v5, v7;
	v3, _, _ =	vpop (xrf2)  }
0x1aa: {  	v7 =	vld [tilespmem:s17+$0xFFFFFF80];
	[tilespmem:s25+$0x0] =	vst.msk vm0, v3  }
0x1ab: {  	v3 =	vmul.bf16 v8, v9;
	v22 =	vld [tilespmem:s20+$0x30]  }
0x1ac: {  	v23 =	vld [tilespmem:s17+$0xFFFFFFD0];
	v13 =	vmul.bf16 v21, v13;
	v9, _, _ =	vpop (xrf2)  }
0x1ad: {  	v8 =	vld [tilespmem:s17+$0xFFFFFFC0];
	v12 =	vmul.bf16 v19, v12;
	[tilespmem:s13+$0x0] =	vst.msk vm0, v9;
	s13 =	smov.u32 s19  }
.Ltmp14:
0x1ae: {  	s25 =	sand.u32 $0x4, s18;
	s18 =	smov.u32 s23;
	v19 =	vmul.bf16 v10, v15;
	v9 =	vld [tilespmem:s20+$0xFFFFFFC0];
	v13 =	vadd.bf16 v0, v13;
	(pc) =	sbr.rel @p0 .LBB2_19-.Ltmp14, $4  }
0x1af: {  	v11 =	vmul.bf16 v6, v11;
	s23 =	sor.u32 s25, s24;
	v18 =	vmul.bf16 v18, v20;
	v20 =	vadd.bf16 v0, v12;
	v10 =	vld [tilespmem:s17+$0x50];
	v6, _, _ =	vpop (xrf2)  }
0x1b0: {  	v15 =	vmul.bf16 v7, v17;
	v17 =	vadd.bf16 v0, v19;
	v19 =	vmul.bf16 v14, v22;
	v12 =	vld [tilespmem:s20+$0x50];
	[tilespmem:s23+$0x0] =	vst.msk vm0, v6  }
0x1b1: {  	v6 =	vadd.bf16 v0, v18;
	v7 =	vadd.bf16 v11, v13;
	v14 =	vmul.bf16 v23, v2;
	v11 =	vld [tilespmem:s17+$0x70]  }
0x1b2: {  	s24 =	smov.u32 s22;
	v16 =	vadd.bf16 v16, v20;
	v17 =	vadd.bf16 v19, v17;
	v13 =	vld [tilespmem:s20+$0x70];
	s20 =	sadd.s32 $0x100, s20  }
0x1b3: {  	_ = 	snop  }
0x1b4: {  	v2 =	vmul.bf16 v8, v9  }
0x1b5: {  	v52 =	vadd.bf16 v0, v15;
	v53 =	vmul.bf16 v10, v12  }
0x1b6: {  	v54 =	vadd.bf16 v0, v14;
	v2 =	vadd.bf16 v0, v2  }
0x1b7: {  	v55 =	vadd.bf16 v17, v16;
	v9 =	vadd.bf16 v0, v53;
	v11 =	vmul.bf16 v11, v13  }
0x1b8: {  	v1 =	vadd.bf16 v1, v54;
	v2 =	vadd.bf16 v4, v2  }
0x1b9: {  	v56 =	vadd.bf16 v5, v52;
	v57 =	vunpack.i.u.bf16.f32 v55;
	v58 =	vadd.bf16 v11, v9  }
0x1ba: {  	v59 =	vunpack.i.l.bf16.f32 v55;
	v1 =	vadd.bf16 v1, v2;
	v2 =	vadd.bf16 v3, v6  }
0x1bb: {  	v3 =	vadd.f32 v59, v57;
	v60 =	vadd.bf16 v58, v7  }
0x1bc: {  	v61 =	vunpack.i.u.bf16.f32 v1;
	v1 =	vunpack.i.l.bf16.f32 v1;
	v2 =	vadd.bf16 v2, v56  }
0x1bd: {  	v1 =	vadd.f32 v1, v61;
	v62 =	vunpack.i.u.bf16.f32 v60;
	v5 =	vunpack.i.l.bf16.f32 v60  }
0x1be: {  	(xrf2) =	vadd.scan.msk.f32 $0xffff, v3;
	v63 =	vunpack.i.u.bf16.f32 v2;
	v2 =	vunpack.i.l.bf16.f32 v2;
	v3 =	vadd.f32 v5, v62  }
0x1bf: {  	(xrf2) =	vadd.scan.msk.f32 $0xffff, v1;
	v1 =	vadd.f32 v2, v63  }
0x1c0: {  	(xrf2) =	vadd.scan.msk.f32 $0xffff, v3  }
0x1c1: {  	(xrf2) =	vadd.scan.msk.f32 $0xffff, v1;
	_ =	sdelay $0x3  }
0x1c2: {  	s17 =	sadd.s32 s18, s14  }
0x1c3: {  	s19 =	sadd.s32 $0x2, s18;
	s17 =	sand.u32 $0x7FF8, s17  }
0x1c4: {  	s20 =	sadd.s32 $0x1, s18;
	s19 =	sand.u32 $0x6, s19;
	s17 =	sadd.s32 $0x4E20, s17  }
0x1c5: {  	s20 =	sand.u32 $0x5, s20;
	s19 =	sor.u32 s19, s17;
	v1, _, _ =	vpop (xrf2)  }
0x1c6: {  	s23 =	sor.u32 s20, s17;
	[tilespmem:s19+$0x0] =	vst.msk vm0, v1;
	v1, _, _ =	vpop (xrf2)  }
0x1c7: {  	s24 =	sand.u32 $0x4, s18;
	[tilespmem:s23+$0x0] =	vst.msk vm0, v1;
	v1, _, _ =	vpop (xrf2)  }
.Ltmp15:
0x1c8: {  	p0 =	sgt.u32 s15, $0x77;
	s25 =	sor.u32 s24, s17;
	[tilespmem:s13+$0x0] =	vst.msk vm0, v1;
	v1, _, _ =	vpop (xrf2);
	(pc) =	sbr.rel .LBB2_21-.Ltmp15, $4  }
0x1c9: {  	s18 =	simm.s32 @!p0 $0x11540;
	s17 =	simm.s32 @!p0 $0x50;
	s13 =	sadd.s32 @!p0 $0x190, s16;
	[tilespmem:s25+$0x0] =	vst.msk vm0, v1  }
0x1ca: {  	[tilespmem:s18], [sflag:$0x5] =	stream.indirect.gather @!p0 [hbm4b:s3+s17], $0x40, s13, s17, $0xb8;
	[tilespmem:$0x13D40] =	vst v63  }
0x1cb: {  	s13 =	sadd.s32 @!p0 $0x28A0, s16;
	s16 =	simm.s32 @!p0 $0x12940  }
0x1cc: {  	[tilespmem:s16], [sflag:$0x5] =	stream.indirect.gather @!p0 [hbm4b:s3+s17], $0x40, s13, s17, $0xb8;
	[tilespmem:$0x13D40] =	vst v63  }
.LBB2_12:
0x1cd: {  	_ =	swait.ge [sflag:s30], $0x1400  }
0x1ce: {  	[sflag:s30] =	ssyncset.done $0x0  }
0x1cf: {  	[sflag:s30] =	ssyncadd.s32 $0xFFFFEC00  }
0x1d0: {  	_ =	swait.ge [sflag:s30], $0x1400  }
0x1d1: {  	[sflag:s30] =	ssyncset.done $0x0  }
0x1d2: {  	s13 =	simm.s32 $0x9DC0;
	[sflag:s30] =	ssyncadd.s32 $0xFFFFEC00  }
0x1d3: {  	v2 =	vld [tilespmem:s13+$0xFFFFFFD0]  }
0x1d4: {  	s17 =	simm.s32 $0xB1C0;
	v3 =	vld [tilespmem:s13+$0xFFFFFFE0]  }
0x1d5: {  	v1 =	vld [tilespmem:s17+$0x20]  }
0x1d6: {  	v4 =	vld [tilespmem:s17+$0xFFFFFFE0]  }
0x1d7: {  	v5 =	vld [tilespmem:s13+$0x20]  }
0x1d8: {  	v6 =	vld [tilespmem:s17+$0xFFFFFFF0]  }
0x1d9: {  	v7 =	vld [tilespmem:s17+$0x30]  }
0x1da: {  	v11 =	vld [tilespmem:s13+$0x60]  }
0x1db: {  	v8 =	vld [tilespmem:s13+$0xFFFFFFF0]  }
0x1dc: {  	v10 =	vld [tilespmem:s17+$0x10]  }
0x1dd: {  	v9 =	vld [tilespmem:s17+$0xFFFFFFB0]  }
0x1de: {  	v12 =	vld [tilespmem:s13+$0x10]  }
0x1df: {  	v13 =	vld [tilespmem:s17+$0x60]  }
0x1e0: {  	v14 =	vld [tilespmem:s13+$0xFFFFFFA0]  }
0x1e1: {  	v15 =	vld [tilespmem:s13+$0xFFFFFFB0]  }
0x1e2: {  	v16 =	vld [tilespmem:s13+$0x40]  }
0x1e3: {  	v17 =	vld [tilespmem:s13+$0xFFFFFF80]  }
0x1e4: {  	v18 =	vld [tilespmem:s17+$0xFFFFFFA0]  }
0x1e5: {  	v19 =	vld [tilespmem:s17+$0x0]  }
0x1e6: {  	v20 =	vld [tilespmem:s13+$0xFFFFFF90]  }
0x1e7: {  	v21 =	vld [tilespmem:s17+$0x40]  }
0x1e8: {  	v22 =	vld [tilespmem:s13+$0x0]  }
0x1e9: {  	v23 =	vld [tilespmem:s17+$0xFFFFFF90]  }
0x1ea: {  	v24 =	vld [tilespmem:s17+$0xFFFFFF80];
	v25 =	vmul.bf16 v1, v5  }
0x1eb: {  	v1 =	vmul.bf16 v6, v8;
	v6 =	vld [tilespmem:s13+$0x30];
	v4 =	vmul.bf16 v4, v3  }
0x1ec: {  	v5 =	vmul.bf16 v18, v14;
	v14 =	vld [tilespmem:s17+$0xFFFFFFD0];
	v3 =	vmul.bf16 v9, v15  }
0x1ed: {  	v15 =	vmul.bf16 v21, v16;
	v8 =	vld [tilespmem:s17+$0xFFFFFFC0];
	v16 =	vmul.bf16 v19, v22  }
0x1ee: {  	v9 =	vld [tilespmem:s13+$0xFFFFFFC0];
	v12 =	vmul.bf16 v10, v12  }
0x1ef: {  	v19 =	vmul.bf16 v23, v20;
	v10 =	vld [tilespmem:s17+$0x50];
	v11 =	vmul.bf16 v13, v11;
	v13 =	vadd.bf16 v0, v16  }
0x1f0: {  	v18 =	vadd.bf16 v0, v15;
	v62 =	vadd.bf16 v0, v12;
	v12 =	vld [tilespmem:s13+$0x50];
	v63 =	vmul.bf16 v7, v6  }
0x1f1: {  	s16 =	smul.u32 $0x50, s15;
	s18 =	simm.s32 $0x0;
	s24 =	simm.s32 $0x4;
	v15 =	vmul.bf16 v24, v17;
	v16 =	vadd.bf16 v25, v13;
	v13 =	vld [tilespmem:s13+$0x70];
	v6 =	vadd.bf16 v0, v19  }
0x1f2: {  	s20 =	simm.s32 $0x9EC0;
	s19 =	smov.u32 s21;
	s13 =	smov.u32 s21;
	v7 =	vadd.bf16 v11, v18;
	v11 =	vld [tilespmem:s17+$0x70];
	v14 =	vmul.bf16 v14, v2;
	v17 =	vadd.bf16 v63, v62  }
.LBB2_13:
0x1f3: {  	s19 =	sadd.s32 $0x4, s19  }
0x1f4: {  	v2 =	vld [tilespmem:s20+$0xFFFFFFD0];
	v15 =	vadd.bf16 v0, v15;
	s17 =	sadd.s32 $0x100, s17;
	s23 =	smov.u32 s24;
	s22 =	sadd.s32 $0x4, s24  }
0x1f5: {  	p0 =	slt.u32 s24, $0x4C;
	v8 =	vmul.bf16 v8, v9;
	v18 =	vld [tilespmem:s20+$0xFFFFFFE0];
	v9 =	vadd.bf16 v17, v16  }
0x1f6: {  	v14 =	vadd.bf16 v0, v14;
	v16 =	vld [tilespmem:s17+$0x20];
	v5 =	vadd.bf16 v5, v15;
	v10 =	vmul.bf16 v10, v12  }
0x1f7: {  	v8 =	vadd.bf16 v0, v8;
	v12 =	vld [tilespmem:s17+$0xFFFFFFE0];
	v15 =	vunpack.i.u.bf16.f32 v9;
	v9 =	vunpack.i.l.bf16.f32 v9  }
0x1f8: {  	v17 =	vld [tilespmem:s20+$0x20];
	v9 =	vadd.f32 v9, v15;
	v10 =	vadd.bf16 v0, v10;
	v11 =	vmul.bf16 v11, v13  }
0x1f9: {  	v1 =	vadd.bf16 v1, v14;
	v4 =	vadd.bf16 v4, v8;
	v13 =	vld [tilespmem:s17+$0xFFFFFFF0]  }
0x1fa: {  	v14 =	vld [tilespmem:s17+$0x30];
	v8 =	vadd.bf16 v11, v10;
	(xrf2) =	vadd.scan.msk.f32 $0xffff, v9  }
0x1fb: {  	v1 =	vadd.bf16 v1, v4;
	v11 =	vld [tilespmem:s20+$0x60]  }
0x1fc: {  	v4 =	vld [tilespmem:s20+$0xFFFFFFF0];
	v7 =	vadd.bf16 v8, v7  }
0x1fd: {  	v3 =	vadd.bf16 v3, v6;
	v6 =	vunpack.i.u.bf16.f32 v1;
	v1 =	vunpack.i.l.bf16.f32 v1;
	v10 =	vld [tilespmem:s17+$0x10]  }
0x1fe: {  	v1 =	vadd.f32 v1, v6;
	v8 =	vld [tilespmem:s17+$0xFFFFFFB0];
	v6 =	vunpack.i.u.bf16.f32 v7;
	v7 =	vunpack.i.l.bf16.f32 v7  }
0x1ff: {  	v3 =	vadd.bf16 v3, v5;
	v16 =	vmul.bf16 v16, v17;
	v15 =	vld [tilespmem:s20+$0x10];
	v5 =	vadd.f32 v7, v6  }
0x200: {  	v6 =	vld [tilespmem:s17+$0x60];
	(xrf2) =	vadd.scan.msk.f32 $0xffff, v1  }
0x201: {  	s24 =	sadd.s32 s18, s14;
	v7 =	vld [tilespmem:s20+$0xFFFFFFA0];
	v1 =	vmul.bf16 v13, v4;
	v4 =	vunpack.i.u.bf16.f32 v3;
	v3 =	vunpack.i.l.bf16.f32 v3  }
0x202: {  	s25 =	sadd.s32 $0x2, s18;
	s24 =	sand.u32 $0x7FF8, s24;
	v9 =	vld [tilespmem:s20+$0xFFFFFFB0];
	v3 =	vadd.f32 v3, v4  }
0x203: {  	s25 =	sand.u32 $0x6, s25;
	s24 =	sadd.s32 $0x4E20, s24;
	v13 =	vld [tilespmem:s20+$0x40];
	(xrf2) =	vadd.scan.msk.f32 $0xffff, v5  }
0x204: {  	s25 =	sor.u32 s25, s24;
	v17 =	vld [tilespmem:s20+$0xFFFFFF80];
	v4, _, _ =	vpop (xrf2)  }
0x205: {  	v5 =	vld [tilespmem:s17+$0xFFFFFFA0];
	[tilespmem:s25+$0x0] =	vst.msk vm0, v4  }
0x206: {  	v19 =	vld [tilespmem:s17+$0x0];
	(xrf2) =	vadd.scan.msk.f32 $0xffff, v3  }
0x207: {  	v20 =	vld [tilespmem:s20+$0xFFFFFF90]  }
0x208: {  	s25 =	sadd.s32 $0x1, s18;
	v21 =	vld [tilespmem:s17+$0x40]  }
0x209: {  	v4 =	vmul.bf16 v12, v18;
	s25 =	sand.u32 $0x5, s25;
	v12 =	vld [tilespmem:s20+$0x0]  }
0x20a: {  	s25 =	sor.u32 s25, s24;
	v18 =	vld [tilespmem:s17+$0xFFFFFF90];
	v5 =	vmul.bf16 v5, v7;
	v3, _, _ =	vpop (xrf2)  }
0x20b: {  	v7 =	vld [tilespmem:s17+$0xFFFFFF80];
	[tilespmem:s25+$0x0] =	vst.msk vm0, v3  }
0x20c: {  	v3 =	vmul.bf16 v8, v9;
	v22 =	vld [tilespmem:s20+$0x30]  }
0x20d: {  	v23 =	vld [tilespmem:s17+$0xFFFFFFD0];
	v13 =	vmul.bf16 v21, v13;
	v9, _, _ =	vpop (xrf2)  }
0x20e: {  	v8 =	vld [tilespmem:s17+$0xFFFFFFC0];
	v12 =	vmul.bf16 v19, v12;
	[tilespmem:s13+$0x0] =	vst.msk vm0, v9;
	s13 =	smov.u32 s19  }
.Ltmp16:
0x20f: {  	s25 =	sand.u32 $0x4, s18;
	s18 =	smov.u32 s23;
	v19 =	vmul.bf16 v10, v15;
	v9 =	vld [tilespmem:s20+$0xFFFFFFC0];
	v13 =	vadd.bf16 v0, v13;
	(pc) =	sbr.rel @p0 .LBB2_13-.Ltmp16, $4  }
0x210: {  	v11 =	vmul.bf16 v6, v11;
	s23 =	sor.u32 s25, s24;
	v18 =	vmul.bf16 v18, v20;
	v20 =	vadd.bf16 v0, v12;
	v10 =	vld [tilespmem:s17+$0x50];
	v6, _, _ =	vpop (xrf2)  }
0x211: {  	v15 =	vmul.bf16 v7, v17;
	v17 =	vadd.bf16 v0, v19;
	v19 =	vmul.bf16 v14, v22;
	v12 =	vld [tilespmem:s20+$0x50];
	[tilespmem:s23+$0x0] =	vst.msk vm0, v6  }
0x212: {  	v6 =	vadd.bf16 v0, v18;
	v7 =	vadd.bf16 v11, v13;
	v14 =	vmul.bf16 v23, v2;
	v11 =	vld [tilespmem:s17+$0x70]  }
0x213: {  	s24 =	smov.u32 s22;
	v16 =	vadd.bf16 v16, v20;
	v17 =	vadd.bf16 v19, v17;
	v13 =	vld [tilespmem:s20+$0x70];
	s20 =	sadd.s32 $0x100, s20  }
0x214: {  	_ = 	snop  }
0x215: {  	v2 =	vmul.bf16 v8, v9  }
0x216: {  	v52 =	vadd.bf16 v0, v15;
	v53 =	vmul.bf16 v10, v12  }
0x217: {  	v54 =	vadd.bf16 v0, v14;
	v2 =	vadd.bf16 v0, v2  }
0x218: {  	v55 =	vadd.bf16 v17, v16;
	v9 =	vadd.bf16 v0, v53;
	v11 =	vmul.bf16 v11, v13  }
0x219: {  	v1 =	vadd.bf16 v1, v54;
	v2 =	vadd.bf16 v4, v2  }
0x21a: {  	v56 =	vadd.bf16 v5, v52;
	v57 =	vunpack.i.u.bf16.f32 v55;
	v58 =	vadd.bf16 v11, v9  }
0x21b: {  	v59 =	vunpack.i.l.bf16.f32 v55;
	v1 =	vadd.bf16 v1, v2;
	v2 =	vadd.bf16 v3, v6  }
0x21c: {  	v3 =	vadd.f32 v59, v57;
	v60 =	vadd.bf16 v58, v7  }
0x21d: {  	v61 =	vunpack.i.u.bf16.f32 v1;
	v1 =	vunpack.i.l.bf16.f32 v1;
	v2 =	vadd.bf16 v2, v56  }
0x21e: {  	v1 =	vadd.f32 v1, v61;
	v62 =	vunpack.i.u.bf16.f32 v60;
	v5 =	vunpack.i.l.bf16.f32 v60  }
0x21f: {  	(xrf2) =	vadd.scan.msk.f32 $0xffff, v3;
	v63 =	vunpack.i.u.bf16.f32 v2;
	v2 =	vunpack.i.l.bf16.f32 v2;
	v3 =	vadd.f32 v5, v62  }
0x220: {  	(xrf2) =	vadd.scan.msk.f32 $0xffff, v1;
	v1 =	vadd.f32 v2, v63  }
0x221: {  	(xrf2) =	vadd.scan.msk.f32 $0xffff, v3  }
0x222: {  	(xrf2) =	vadd.scan.msk.f32 $0xffff, v1;
	_ =	sdelay $0x3  }
0x223: {  	s17 =	sadd.s32 s18, s14  }
0x224: {  	s19 =	sadd.s32 $0x2, s18;
	s17 =	sand.u32 $0x7FF8, s17  }
0x225: {  	s20 =	sadd.s32 $0x1, s18;
	s19 =	sand.u32 $0x6, s19;
	s17 =	sadd.s32 $0x4E20, s17  }
0x226: {  	s20 =	sand.u32 $0x5, s20;
	s19 =	sor.u32 s19, s17;
	v1, _, _ =	vpop (xrf2)  }
0x227: {  	s23 =	sor.u32 s20, s17;
	[tilespmem:s19+$0x0] =	vst.msk vm0, v1;
	v1, _, _ =	vpop (xrf2)  }
0x228: {  	s24 =	sand.u32 $0x4, s18;
	[tilespmem:s23+$0x0] =	vst.msk vm0, v1;
	v1, _, _ =	vpop (xrf2)  }
.Ltmp17:
0x229: {  	p0 =	sgt.u32 s15, $0x77;
	s25 =	sor.u32 s24, s17;
	[tilespmem:s13+$0x0] =	vst.msk vm0, v1;
	v1, _, _ =	vpop (xrf2);
	(pc) =	sbr.rel .LBB2_21-.Ltmp17, $4  }
0x22a: {  	s18 =	simm.s32 @!p0 $0x9D40;
	s17 =	simm.s32 @!p0 $0x50;
	s13 =	sadd.s32 @!p0 $0x190, s16;
	[tilespmem:s25+$0x0] =	vst.msk vm0, v1  }
0x22b: {  	[tilespmem:s18], [sflag:$0x2] =	stream.indirect.gather @!p0 [hbm4b:s3+s17], $0x40, s13, s17, $0xb8;
	[tilespmem:$0x13D40] =	vst v63  }
0x22c: {  	s13 =	sadd.s32 @!p0 $0x28A0, s16;
	s16 =	simm.s32 @!p0 $0xB140  }
0x22d: {  	[tilespmem:s16], [sflag:$0x2] =	stream.indirect.gather @!p0 [hbm4b:s3+s17], $0x40, s13, s17, $0xb8;
	[tilespmem:$0x13D40] =	vst v63  }
.LBB2_23:
0x22e: {  	_ =	sfence.sel $0x180000  }
0x22f: {  	[bflag:$0x0] =	sbarrier.arrive $0xFFFF  }
0x230: {  	_ =	strace $0x90000047  }
0x231: {  	s0 =	stileid.u32;
	[bflag:$0x2] =	sbarrier.arrive $0xFFFF  }
0x232: {  	p0 =	sne.s32 s0, $0x0;
	s0 =	rddreg [dreg:$0x4]  }
0x233: {  	s0 =	sadd.s32 @!p0 $0x100000, s0  }
0x234: {  	[sflag:s0] =	ssyncadd.tile.s32 @!p0 $0x1;
	_ =	shalt  }
.Lfunc_end2:
_tile_overlayer_lowered:
.L_overlay_start_2:
0x235: {  	(tag) =	ssettag $0x2  }
0x236: {  	s0 =	rddreg [dreg:$0x0];
	s2 =	stileid.u32  }
0x237: {  	s1 =	rddreg [dreg:$0x1];
	p0 =	sne.s32 s2, $0x0  }
0x238: {  	s3 =	rddreg [dreg:$0x2];
	[bflag:$0x3] =	sbarrier.arrive $0xFFFF;
	s2 =	simm.s32 @!p0 $0x1C06  }
0x239: {  	[timem:s3], [sflag:s2] =	dma.local @!p0 [hbm:s0], s1  }
0x23a: {  	s0 =	simm.s32 @!p0 $0x6  }
0x23b: {  	_ =	swait.ge @!p0 [sflag:s0], s1  }
0x23c: {  	s1 =	ssub.s32 @!p0 $0x0, s1;
	[sflag:s0] =	ssyncset.done @!p0 $0x0  }
0x23d: {  	[sflag:s0] =	ssyncadd.s32 @!p0 s1  }
0x23e: {  	[bflag:$0x3] =	sbarrier.arrive $0xFFFF  }
0x23f: {  	_ =	shalt  }

</sc_bundles>
